<compile_context>
chip_gen: v7x
topology: tpu7x:2x2x1
jax: 0.10.2.dev20260603
libtpu: 0.0.44.dev20260713+nightly
codegen_flags: <defaults>
</compile_context>

<pallas_src>
import jax
import jax.numpy as jnp
from jax import lax
from jax.experimental import pallas as pl
from jax.experimental.pallas import tpu as pltpu
from jax.experimental.pallas import tpu_sc as plsc

VOCAB_SIZE = 1000000
EMBED = 64
FEAT = 512
BATCH_N = 16384
HIST_N = 200

NUM_CORES = 2
NUM_SUBCORES = 16
NUM_WORKERS = NUM_CORES * NUM_SUBCORES
B_PER_W = BATCH_N // NUM_WORKERS
SG = 128
NGROUPS = B_PER_W // SG
NBUF = 4
IDX_CHUNK0 = 128
IDX_CHUNK1 = HIST_N - IDX_CHUNK0


def _sc_gather_pool_body(idx_hbm, table_hbm, out_hbm,
                         idx_v, r0, r1, r2, r3, out_v, m0, m1, m2, m3):
  rows = (r0, r1, r2, r3)
  sems = (m0, m1, m2, m3)
  table2d = table_hbm
  c = lax.axis_index("c")
  s = lax.axis_index("s")
  wid = s * NUM_CORES + c
  base = wid * B_PER_W

  def start_gather(samp, rows_ref, sem):
    off = samp * HIST_N
    pltpu.async_copy(table2d.at[idx_v.at[pl.ds(off, IDX_CHUNK0)]],
                     rows_ref.at[pl.ds(0, IDX_CHUNK0)], sem)
    pltpu.async_copy(table2d.at[idx_v.at[pl.ds(off + IDX_CHUNK0, IDX_CHUNK1)]],
                     rows_ref.at[pl.ds(IDX_CHUNK0, IDX_CHUNK1)], sem)

  def wait_gather(rows_ref, sem):
    pltpu.make_async_copy(table2d.at[pl.ds(0, HIST_N)], rows_ref, sem).wait()

  def reduce_rows(rows_ref, samp):
    def h_body(h, accs):
      return tuple(accs[d] + rows_ref[h, pl.ds(d * 16, 16)] for d in range(4))
    accs = tuple(jnp.zeros((16,), jnp.float32) for _ in range(4))
    accs = lax.fori_loop(0, HIST_N, h_body, accs, unroll=8)
    for d in range(4):
      out_v[samp, pl.ds(d * 16, 16)] = accs[d]

  def g_body(g, carry):
    gbase = (base + g * SG) * HIST_N
    pltpu.sync_copy(idx_hbm.at[pl.ds(gbase, SG * HIST_N)], idx_v)
    for j in range(NBUF):
      start_gather(j, rows[j], sems[j])

    def p_body(p, carry2):
      for j in range(NBUF):
        samp = NBUF * p + j
        wait_gather(rows[j], sems[j])
        reduce_rows(rows[j], samp)
        start_gather(jnp.minimum(samp + NBUF, SG - 1), rows[j], sems[j])
      return carry2

    lax.fori_loop(0, SG // NBUF, p_body, 0)
    for j in range(NBUF):
      wait_gather(rows[j], sems[j])
    pltpu.sync_copy(out_v, out_hbm.at[pl.ds(base + g * SG, SG)])
    return carry

  lax.fori_loop(0, NGROUPS, g_body, 0)


@jax.jit
def _sc_gather_pool(idx_flat, table):
  mesh = plsc.VectorSubcoreMesh(core_axis_name="c", subcore_axis_name="s")
  f = pl.kernel(
      _sc_gather_pool_body,
      out_type=jax.ShapeDtypeStruct((BATCH_N, EMBED), jnp.float32),
      mesh=mesh,
      scratch_types=(
          [pltpu.VMEM((SG * HIST_N,), jnp.int32)]
          + [pltpu.VMEM((HIST_N, EMBED), jnp.float32) for _ in range(NBUF)]
          + [pltpu.VMEM((SG, EMBED), jnp.float32)]
          + [pltpu.SemaphoreType.DMA for _ in range(NBUF)]
      ),
      compiler_params=pltpu.CompilerParams(use_tc_tiling_on_sc=False),
  )
  return f(idx_flat, table)


def _mm_body(x_ref, w_ref, b_ref, o_ref):
  o_ref[...] = (
      jnp.dot(x_ref[...], w_ref[...], preferred_element_type=jnp.float32)
      * (1.0 / VOCAB_SIZE)
      + b_ref[...]
  )


@jax.jit
def _project(sums, W, b):
  bm = 2048
  return pl.pallas_call(
      _mm_body,
      grid=(BATCH_N // bm,),
      in_specs=[
          pl.BlockSpec((bm, EMBED), lambda i: (i, 0)),
          pl.BlockSpec((EMBED, FEAT), lambda i: (0, 0)),
          pl.BlockSpec((1, FEAT), lambda i: (0, 0)),
      ],
      out_specs=pl.BlockSpec((bm, FEAT), lambda i: (i, 0)),
      out_shape=jax.ShapeDtypeStruct((BATCH_N, FEAT), jnp.float32),
  )(sums, W, b.reshape(1, FEAT))


def kernel(text_input, table, W, b):
  idx = text_input.reshape(-1)
  if idx.dtype != jnp.int32:
    idx = idx.astype(jnp.int32)
  sums = _sc_gather_pool(idx, table)
  return _project(sums, W, b)

# --- scband reference (transcript-rebuilt; emitter-appended) ---
"""Pipeline reference for scband-regression-35897336660227 (READ-ONLY COPY).

The authoritative reference and input builder live on the scoring server;
editing this copy changes nothing except your own understanding.
"""

import jax, jax.numpy as jnp
import numpy as np

VOCAB = 1000000
EMBED_DIM = 64
IMG_FEAT = 512
BATCH = 16384
HIST = 200

def setup_inputs(seed: int = 0) -> dict:
    key = jax.random.key(seed)
    k1, k2, k3, k4 = jax.random.split(key, 4)
    text_input = jax.random.randint(k1, (BATCH, HIST), 0, VOCAB, dtype=jnp.int64 if jax.config.jax_enable_x64 else jnp.int32)
    table = jax.random.normal(k2, (VOCAB, EMBED_DIM), dtype=jnp.float32)
    W = jax.random.normal(k3, (EMBED_DIM, IMG_FEAT), dtype=jnp.float32) * (1.0 / np.sqrt(EMBED_DIM))
    b = jax.random.normal(k4, (IMG_FEAT,), dtype=jnp.float32) * 0.01
    return {"text_input": text_input, "table": table, "W": W, "b": b}

def reference(text_input, table, W, b):
    # embeds = self.embeddings(text_input) / self.vocab_size
    embeds = jnp.take(table, text_input, axis=0) / VOCAB
    # sum over sequence dimension
    sum_embeds = jnp.sum(embeds, axis=1)
    # linear1
    output = sum_embeds @ W + b
    return output

if __name__ == "__main__":
    import jax
    _d = setup_inputs()
    print(jax.jit(kernel)(*tuple(_d.values())))

</pallas_src>

<mosaic_0001>
#map = affine_map<(d0, d1) -> (0)>
#map1 = affine_map<(d0, d1) -> (0, 0)>
module attributes {stable_mosaic.version = 14 : i64} {
  func.func @_sc_gather_pool_body(%arg0: i32, %arg1: i32, %arg2: memref<3276800xi32, #tpu.memory_space<hbm>>, %arg3: memref<1000000x64xf32, #tpu.memory_space<hbm>>, %arg4: memref<16384x64xf32, #tpu.memory_space<hbm>>, %arg5: memref<25600xi32, #tpu.memory_space<vmem>>, %arg6: memref<200x64xf32, #tpu.memory_space<vmem>>, %arg7: memref<200x64xf32, #tpu.memory_space<vmem>>, %arg8: memref<200x64xf32, #tpu.memory_space<vmem>>, %arg9: memref<200x64xf32, #tpu.memory_space<vmem>>, %arg10: memref<128x64xf32, #tpu.memory_space<vmem>>, %arg11: memref<!tpu.dma_semaphore, #tpu.memory_space<semaphore_mem>>, %arg12: memref<!tpu.dma_semaphore, #tpu.memory_space<semaphore_mem>>, %arg13: memref<!tpu.dma_semaphore, #tpu.memory_space<semaphore_mem>>, %arg14: memref<!tpu.dma_semaphore, #tpu.memory_space<semaphore_mem>>) attributes {dimension_semantics = [#tpu.dimension_semantics<core_parallel>, #tpu.dimension_semantics<subcore_parallel>], iteration_bounds = array<i64: 2, 16>, scalar_prefetch = 0 : i64, scratch_operands = 10 : i64, tpu.core_type = #tpu.core_type<sc_vector_subcore>, window_params = [{transform_indices = #map}, {transform_indices = #map1}, {transform_indices = #map1}]} {
    %mul3A = arith.constant 2 : i32
    %mul3A_0 = arith.muli %arg1, %mul3A : i32
    %add3A = arith.addi %mul3A_0, %arg0 : i32
    %mul3A_1 = arith.constant 512 : i32
    %mul3A_2 = arith.muli %add3A, %mul3A_1 : i32
    %scan3A = arith.constant 0 : i32
    %scan3A_3 = arith.constant 0 : i32
    %scan3A_4 = arith.constant 4 : i32
    %scan3A_5 = arith.addi %scan3A_3, %scan3A_4 : i32
    %scan3A_6 = arith.constant 1 : i32
    scf.for %scan3A_8 = %scan3A_3 to %scan3A_5 step %scan3A_6  : i32 {
      %mul3A_9 = arith.constant 128 : i32
      %mul3A_10 = arith.muli %scan3A_8, %mul3A_9 : i32
      %add3A_11 = arith.addi %mul3A_2, %mul3A_10 : i32
      %mul3A_12 = arith.constant 200 : i32
      %mul3A_13 = arith.muli %add3A_11, %mul3A_12 : i32
      "tpu.region"() ({
        %run_scoped3A = tpu.sem_alloc : memref<!tpu.dma_semaphore, #tpu.memory_space<semaphore_mem>>
        %dma_start3A_109 = tpu.memref_slice %arg2[%mul3A_13] : memref<3276800xi32, #tpu.memory_space<hbm>> -> memref<25600xi32, #tpu.memory_space<hbm>>
        %dma_start3A_110 = tpu.memref_slice %arg2[%mul3A_13] : memref<3276800xi32, #tpu.memory_space<hbm>> -> memref<25600xi32, #tpu.memory_space<hbm>>
        tpu.enqueue_dma source(%dma_start3A_110 : memref<25600xi32, #tpu.memory_space<hbm>>) target(%arg5 : memref<25600xi32, #tpu.memory_space<vmem>>) target_semaphore(%run_scoped3A : memref<!tpu.dma_semaphore, #tpu.memory_space<semaphore_mem>>)
        %dma_wait3A_111 = tpu.memref_slice %arg2[%mul3A_13] : memref<3276800xi32, #tpu.memory_space<hbm>> -> memref<25600xi32, #tpu.memory_space<hbm>>
        %dma_wait3A_112 = tpu.memref_slice %arg2[%mul3A_13] : memref<3276800xi32, #tpu.memory_space<hbm>> -> memref<25600xi32, #tpu.memory_space<hbm>>
        tpu.wait_dma2 semaphore(%run_scoped3A : memref<!tpu.dma_semaphore, #tpu.memory_space<semaphore_mem>>) src(%dma_wait3A_112 : memref<25600xi32, #tpu.memory_space<hbm>>) dst(%arg5 : memref<25600xi32, #tpu.memory_space<vmem>>)
        tpu.yield
      }) : () -> ()
      %dma_start3A = arith.constant 0 : i32
      %dma_start3A_14 = arith.constant 0 : i32
      %dma_start3A_15 = tpu.memref_slice %arg6[%dma_start3A, %dma_start3A_14] : memref<200x64xf32, #tpu.memory_space<vmem>> -> memref<128x64xf32, #tpu.memory_space<vmem>>
      %dma_start3A_16 = arith.constant 0 : i32
      %dma_start3A_17 = tpu.memref_slice %arg5[%dma_start3A_16] : memref<25600xi32, #tpu.memory_space<vmem>> -> memref<128xi32, #tpu.memory_space<vmem>>
      %dma_start3A_18 = arith.constant 0 : i32
      %dma_start3A_19 = arith.constant 0 : i32
      %dma_start3A_20 = tpu.memref_slice %arg3[%dma_start3A_18, %dma_start3A_19] : memref<1000000x64xf32, #tpu.memory_space<hbm>> -> memref<1000000x64xf32, #tpu.memory_space<hbm>>
      tpu.enqueue_indirect_dma source(%dma_start3A_20 : memref<1000000x64xf32, #tpu.memory_space<hbm>>) target(%dma_start3A_15 : memref<128x64xf32, #tpu.memory_space<vmem>>) offsets(%dma_start3A_17 : memref<128xi32, #tpu.memory_space<vmem>>) semaphore(%arg11 : memref<!tpu.dma_semaphore, #tpu.memory_space<semaphore_mem>>)
      %dma_start3A_21 = arith.constant 128 : i32
      %dma_start3A_22 = arith.constant 0 : i32
      %dma_start3A_23 = tpu.memref_slice %arg6[%dma_start3A_21, %dma_start3A_22] : memref<200x64xf32, #tpu.memory_space<vmem>> -> memref<72x64xf32, #tpu.memory_space<vmem>>
      %dma_start3A_24 = arith.constant 128 : i32
      %dma_start3A_25 = tpu.memref_slice %arg5[%dma_start3A_24] : memref<25600xi32, #tpu.memory_space<vmem>> -> memref<72xi32, #tpu.memory_space<vmem>>
      %dma_start3A_26 = arith.constant 0 : i32
      %dma_start3A_27 = arith.constant 0 : i32
      %dma_start3A_28 = tpu.memref_slice %arg3[%dma_start3A_26, %dma_start3A_27] : memref<1000000x64xf32, #tpu.memory_space<hbm>> -> memref<1000000x64xf32, #tpu.memory_space<hbm>>
      tpu.enqueue_indirect_dma source(%dma_start3A_28 : memref<1000000x64xf32, #tpu.memory_space<hbm>>) target(%dma_start3A_23 : memref<72x64xf32, #tpu.memory_space<vmem>>) offsets(%dma_start3A_25 : memref<72xi32, #tpu.memory_space<vmem>>) semaphore(%arg11 : memref<!tpu.dma_semaphore, #tpu.memory_space<semaphore_mem>>)
      %dma_start3A_29 = arith.constant 0 : i32
      %dma_start3A_30 = arith.constant 0 : i32
      %dma_start3A_31 = tpu.memref_slice %arg7[%dma_start3A_29, %dma_start3A_30] : memref<200x64xf32, #tpu.memory_space<vmem>> -> memref<128x64xf32, #tpu.memory_space<vmem>>
      %dma_start3A_32 = arith.constant 200 : i32
      %dma_start3A_33 = tpu.memref_slice %arg5[%dma_start3A_32] : memref<25600xi32, #tpu.memory_space<vmem>> -> memref<128xi32, #tpu.memory_space<vmem>>
      %dma_start3A_34 = arith.constant 0 : i32
      %dma_start3A_35 = arith.constant 0 : i32
      %dma_start3A_36 = tpu.memref_slice %arg3[%dma_start3A_34, %dma_start3A_35] : memref<1000000x64xf32, #tpu.memory_space<hbm>> -> memref<1000000x64xf32, #tpu.memory_space<hbm>>
      tpu.enqueue_indirect_dma source(%dma_start3A_36 : memref<1000000x64xf32, #tpu.memory_space<hbm>>) target(%dma_start3A_31 : memref<128x64xf32, #tpu.memory_space<vmem>>) offsets(%dma_start3A_33 : memref<128xi32, #tpu.memory_space<vmem>>) semaphore(%arg12 : memref<!tpu.dma_semaphore, #tpu.memory_space<semaphore_mem>>)
      %dma_start3A_37 = arith.constant 128 : i32
      %dma_start3A_38 = arith.constant 0 : i32
      %dma_start3A_39 = tpu.memref_slice %arg7[%dma_start3A_37, %dma_start3A_38] : memref<200x64xf32, #tpu.memory_space<vmem>> -> memref<72x64xf32, #tpu.memory_space<vmem>>
      %dma_start3A_40 = arith.constant 328 : i32
      %dma_start3A_41 = tpu.memref_slice %arg5[%dma_start3A_40] : memref<25600xi32, #tpu.memory_space<vmem>> -> memref<72xi32, #tpu.memory_space<vmem>>
      %dma_start3A_42 = arith.constant 0 : i32
      %dma_start3A_43 = arith.constant 0 : i32
      %dma_start3A_44 = tpu.memref_slice %arg3[%dma_start3A_42, %dma_start3A_43] : memref<1000000x64xf32, #tpu.memory_space<hbm>> -> memref<1000000x64xf32, #tpu.memory_space<hbm>>
      tpu.enqueue_indirect_dma source(%dma_start3A_44 : memref<1000000x64xf32, #tpu.memory_space<hbm>>) target(%dma_start3A_39 : memref<72x64xf32, #tpu.memory_space<vmem>>) offsets(%dma_start3A_41 : memref<72xi32, #tpu.memory_space<vmem>>) semaphore(%arg12 : memref<!tpu.dma_semaphore, #tpu.memory_space<semaphore_mem>>)
      %dma_start3A_45 = arith.constant 0 : i32
      %dma_start3A_46 = arith.constant 0 : i32
      %dma_start3A_47 = tpu.memref_slice %arg8[%dma_start3A_45, %dma_start3A_46] : memref<200x64xf32, #tpu.memory_space<vmem>> -> memref<128x64xf32, #tpu.memory_space<vmem>>
      %dma_start3A_48 = arith.constant 400 : i32
      %dma_start3A_49 = tpu.memref_slice %arg5[%dma_start3A_48] : memref<25600xi32, #tpu.memory_space<vmem>> -> memref<128xi32, #tpu.memory_space<vmem>>
      %dma_start3A_50 = arith.constant 0 : i32
      %dma_start3A_51 = arith.constant 0 : i32
      %dma_start3A_52 = tpu.memref_slice %arg3[%dma_start3A_50, %dma_start3A_51] : memref<1000000x64xf32, #tpu.memory_space<hbm>> -> memref<1000000x64xf32, #tpu.memory_space<hbm>>
      tpu.enqueue_indirect_dma source(%dma_start3A_52 : memref<1000000x64xf32, #tpu.memory_space<hbm>>) target(%dma_start3A_47 : memref<128x64xf32, #tpu.memory_space<vmem>>) offsets(%dma_start3A_49 : memref<128xi32, #tpu.memory_space<vmem>>) semaphore(%arg13 : memref<!tpu.dma_semaphore, #tpu.memory_space<semaphore_mem>>)
      %dma_start3A_53 = arith.constant 128 : i32
      %dma_start3A_54 = arith.constant 0 : i32
      %dma_start3A_55 = tpu.memref_slice %arg8[%dma_start3A_53, %dma_start3A_54] : memref<200x64xf32, #tpu.memory_space<vmem>> -> memref<72x64xf32, #tpu.memory_space<vmem>>
      %dma_start3A_56 = arith.constant 528 : i32
      %dma_start3A_57 = tpu.memref_slice %arg5[%dma_start3A_56] : memref<25600xi32, #tpu.memory_space<vmem>> -> memref<72xi32, #tpu.memory_space<vmem>>
      %dma_start3A_58 = arith.constant 0 : i32
      %dma_start3A_59 = arith.constant 0 : i32
      %dma_start3A_60 = tpu.memref_slice %arg3[%dma_start3A_58, %dma_start3A_59] : memref<1000000x64xf32, #tpu.memory_space<hbm>> -> memref<1000000x64xf32, #tpu.memory_space<hbm>>
      tpu.enqueue_indirect_dma source(%dma_start3A_60 : memref<1000000x64xf32, #tpu.memory_space<hbm>>) target(%dma_start3A_55 : memref<72x64xf32, #tpu.memory_space<vmem>>) offsets(%dma_start3A_57 : memref<72xi32, #tpu.memory_space<vmem>>) semaphore(%arg13 : memref<!tpu.dma_semaphore, #tpu.memory_space<semaphore_mem>>)
      %dma_start3A_61 = arith.constant 0 : i32
      %dma_start3A_62 = arith.constant 0 : i32
      %dma_start3A_63 = tpu.memref_slice %arg9[%dma_start3A_61, %dma_start3A_62] : memref<200x64xf32, #tpu.memory_space<vmem>> -> memref<128x64xf32, #tpu.memory_space<vmem>>
      %dma_start3A_64 = arith.constant 600 : i32
      %dma_start3A_65 = tpu.memref_slice %arg5[%dma_start3A_64] : memref<25600xi32, #tpu.memory_space<vmem>> -> memref<128xi32, #tpu.memory_space<vmem>>
      %dma_start3A_66 = arith.constant 0 : i32
      %dma_start3A_67 = arith.constant 0 : i32
      %dma_start3A_68 = tpu.memref_slice %arg3[%dma_start3A_66, %dma_start3A_67] : memref<1000000x64xf32, #tpu.memory_space<hbm>> -> memref<1000000x64xf32, #tpu.memory_space<hbm>>
      tpu.enqueue_indirect_dma source(%dma_start3A_68 : memref<1000000x64xf32, #tpu.memory_space<hbm>>) target(%dma_start3A_63 : memref<128x64xf32, #tpu.memory_space<vmem>>) offsets(%dma_start3A_65 : memref<128xi32, #tpu.memory_space<vmem>>) semaphore(%arg14 : memref<!tpu.dma_semaphore, #tpu.memory_space<semaphore_mem>>)
      %dma_start3A_69 = arith.constant 128 : i32
      %dma_start3A_70 = arith.constant 0 : i32
      %dma_start3A_71 = tpu.memref_slice %arg9[%dma_start3A_69, %dma_start3A_70] : memref<200x64xf32, #tpu.memory_space<vmem>> -> memref<72x64xf32, #tpu.memory_space<vmem>>
      %dma_start3A_72 = arith.constant 728 : i32
      %dma_start3A_73 = tpu.memref_slice %arg5[%dma_start3A_72] : memref<25600xi32, #tpu.memory_space<vmem>> -> memref<72xi32, #tpu.memory_space<vmem>>
      %dma_start3A_74 = arith.constant 0 : i32
      %dma_start3A_75 = arith.constant 0 : i32
      %dma_start3A_76 = tpu.memref_slice %arg3[%dma_start3A_74, %dma_start3A_75] : memref<1000000x64xf32, #tpu.memory_space<hbm>> -> memref<1000000x64xf32, #tpu.memory_space<hbm>>
      tpu.enqueue_indirect_dma source(%dma_start3A_76 : memref<1000000x64xf32, #tpu.memory_space<hbm>>) target(%dma_start3A_71 : memref<72x64xf32, #tpu.memory_space<vmem>>) offsets(%dma_start3A_73 : memref<72xi32, #tpu.memory_space<vmem>>) semaphore(%arg14 : memref<!tpu.dma_semaphore, #tpu.memory_space<semaphore_mem>>)
      %scan3A_77 = arith.constant 0 : i32
      %scan3A_78 = arith.constant 0 : i32
      %scan3A_79 = arith.constant 32 : i32
      %scan3A_80 = arith.addi %scan3A_78, %scan3A_79 : i32
      %scan3A_81 = arith.constant 1 : i32
      scf.for %scan3A_109 = %scan3A_78 to %scan3A_80 step %scan3A_81  : i32 {
        %mul3A_110 = arith.constant 4 : i32
        %mul3A_111 = arith.muli %mul3A_110, %scan3A_109 : i32
        %add3A_112 = arith.constant 0 : i32
        %add3A_113 = arith.addi %mul3A_111, %add3A_112 : i32
        %dma_wait3A_114 = arith.constant 0 : i32
        %dma_wait3A_115 = arith.constant 0 : i32
        %dma_wait3A_116 = tpu.memref_slice %arg3[%dma_wait3A_114, %dma_wait3A_115] : memref<1000000x64xf32, #tpu.memory_space<hbm>> -> memref<200x64xf32, #tpu.memory_space<hbm>>
        %dma_wait3A_117 = arith.constant 0 : i32
        %dma_wait3A_118 = arith.constant 0 : i32
        %dma_wait3A_119 = tpu.memref_slice %arg3[%dma_wait3A_117, %dma_wait3A_118] : memref<1000000x64xf32, #tpu.memory_space<hbm>> -> memref<200x64xf32, #tpu.memory_space<hbm>>
        tpu.wait_dma2 semaphore(%arg11 : memref<!tpu.dma_semaphore, #tpu.memory_space<semaphore_mem>>) src(%dma_wait3A_119 : memref<200x64xf32, #tpu.memory_space<hbm>>) dst(%arg6 : memref<200x64xf32, #tpu.memory_space<vmem>>)
        %broadcast_in_dim3A = arith.constant 0.000000e+00 : f32
        %broadcast_in_dim3A_120 = vector.broadcast %broadcast_in_dim3A : f32 to vector<16xf32>
        %broadcast_in_dim3A_121 = arith.constant 0.000000e+00 : f32
        %broadcast_in_dim3A_122 = vector.broadcast %broadcast_in_dim3A_121 : f32 to vector<16xf32>
        %broadcast_in_dim3A_123 = arith.constant 0.000000e+00 : f32
        %broadcast_in_dim3A_124 = vector.broadcast %broadcast_in_dim3A_123 : f32 to vector<16xf32>
        %broadcast_in_dim3A_125 = arith.constant 0.000000e+00 : f32
        %broadcast_in_dim3A_126 = vector.broadcast %broadcast_in_dim3A_125 : f32 to vector<16xf32>
        %scan3A_127 = arith.constant 0 : i32
        %scan3A_128 = arith.constant 200 : i32
        %scan3A_129 = arith.addi %scan3A_127, %scan3A_128 : i32
        %scan3A_130 = arith.constant 8 : i32
        %scan3A_131:4 = scf.for %scan3A_371 = %scan3A_127 to %scan3A_129 step %scan3A_130 iter_args(%scan3A_372 = %broadcast_in_dim3A_120, %scan3A_373 = %broadcast_in_dim3A_122, %scan3A_374 = %broadcast_in_dim3A_124, %scan3A_375 = %broadcast_in_dim3A_126) -> (vector<16xf32>, vector<16xf32>, vector<16xf32>, vector<16xf32>)  : i32 {
          %get3A = arith.index_cast %scan3A_371 : i32 to index
          %get3A_376 = arith.constant 0 : index
          %get3A_377 = tpu.vector_load %arg6[%get3A, %get3A_376] {strides = array<i32>} : memref<200x64xf32, #tpu.memory_space<vmem>>, vector<1x16xf32>,
          %get3A_378 = vector.shape_cast %get3A_377 : vector<1x16xf32> to vector<16xf32>
          %add3A_379 = arith.addf %scan3A_372, %get3A_378 : vector<16xf32>
          %get3A_380 = arith.index_cast %scan3A_371 : i32 to index
          %get3A_381 = arith.constant 16 : index
          %get3A_382 = tpu.vector_load %arg6[%get3A_380, %get3A_381] {strides = array<i32>} : memref<200x64xf32, #tpu.memory_space<vmem>>, vector<1x16xf32>,
          %get3A_383 = vector.shape_cast %get3A_382 : vector<1x16xf32> to vector<16xf32>
          %add3A_384 = arith.addf %scan3A_373, %get3A_383 : vector<16xf32>
          %get3A_385 = arith.index_cast %scan3A_371 : i32 to index
          %get3A_386 = arith.constant 32 : index
          %get3A_387 = tpu.vector_load %arg6[%get3A_385, %get3A_386] {strides = array<i32>} : memref<200x64xf32, #tpu.memory_space<vmem>>, vector<1x16xf32>,
          %get3A_388 = vector.shape_cast %get3A_387 : vector<1x16xf32> to vector<16xf32>
          %add3A_389 = arith.addf %scan3A_374, %get3A_388 : vector<16xf32>
          %get3A_390 = arith.index_cast %scan3A_371 : i32 to index
          %get3A_391 = arith.constant 48 : index
          %get3A_392 = tpu.vector_load %arg6[%get3A_390, %get3A_391] {strides = array<i32>} : memref<200x64xf32, #tpu.memory_space<vmem>>, vector<1x16xf32>,
          %get3A_393 = vector.shape_cast %get3A_392 : vector<1x16xf32> to vector<16xf32>
          %add3A_394 = arith.addf %scan3A_375, %get3A_393 : vector<16xf32>
          %scan3A_395 = arith.constant 1 : i32
          %scan3A_396 = arith.addi %scan3A_371, %scan3A_395 : i32
          %get3A_397 = arith.index_cast %scan3A_396 : i32 to index
          %get3A_398 = arith.constant 0 : index
          %get3A_399 = tpu.vector_load %arg6[%get3A_397, %get3A_398] {strides = array<i32>} : memref<200x64xf32, #tpu.memory_space<vmem>>, vector<1x16xf32>,
          %get3A_400 = vector.shape_cast %get3A_399 : vector<1x16xf32> to vector<16xf32>
          %add3A_401 = arith.addf %add3A_379, %get3A_400 : vector<16xf32>
          %get3A_402 = arith.index_cast %scan3A_396 : i32 to index
          %get3A_403 = arith.constant 16 : index
          %get3A_404 = tpu.vector_load %arg6[%get3A_402, %get3A_403] {strides = array<i32>} : memref<200x64xf32, #tpu.memory_space<vmem>>, vector<1x16xf32>,
          %get3A_405 = vector.shape_cast %get3A_404 : vector<1x16xf32> to vector<16xf32>
          %add3A_406 = arith.addf %add3A_384, %get3A_405 : vector<16xf32>
          %get3A_407 = arith.index_cast %scan3A_396 : i32 to index
          %get3A_408 = arith.constant 32 : index
          %get3A_409 = tpu.vector_load %arg6[%get3A_407, %get3A_408] {strides = array<i32>} : memref<200x64xf32, #tpu.memory_space<vmem>>, vector<1x16xf32>,
          %get3A_410 = vector.shape_cast %get3A_409 : vector<1x16xf32> to vector<16xf32>
          %add3A_411 = arith.addf %add3A_389, %get3A_410 : vector<16xf32>
          %get3A_412 = arith.index_cast %scan3A_396 : i32 to index
          %get3A_413 = arith.constant 48 : index
          %get3A_414 = tpu.vector_load %arg6[%get3A_412, %get3A_413] {strides = array<i32>} : memref<200x64xf32, #tpu.memory_space<vmem>>, vector<1x16xf32>,
          %get3A_415 = vector.shape_cast %get3A_414 : vector<1x16xf32> to vector<16xf32>
          %add3A_416 = arith.addf %add3A_394, %get3A_415 : vector<16xf32>
          %scan3A_417 = arith.constant 2 : i32
          %scan3A_418 = arith.addi %scan3A_371, %scan3A_417 : i32
          %get3A_419 = arith.index_cast %scan3A_418 : i32 to index
          %get3A_420 = arith.constant 0 : index
          %get3A_421 = tpu.vector_load %arg6[%get3A_419, %get3A_420] {strides = array<i32>} : memref<200x64xf32, #tpu.memory_space<vmem>>, vector<1x16xf32>,
          %get3A_422 = vector.shape_cast %get3A_421 : vector<1x16xf32> to vector<16xf32>
          %add3A_423 = arith.addf %add3A_401, %get3A_422 : vector<16xf32>
          %get3A_424 = arith.index_cast %scan3A_418 : i32 to index
          %get3A_425 = arith.constant 16 : index
          %get3A_426 = tpu.vector_load %arg6[%get3A_424, %get3A_425] {strides = array<i32>} : memref<200x64xf32, #tpu.memory_space<vmem>>, vector<1x16xf32>,
          %get3A_427 = vector.shape_cast %get3A_426 : vector<1x16xf32> to vector<16xf32>
          %add3A_428 = arith.addf %add3A_406, %get3A_427 : vector<16xf32>
          %get3A_429 = arith.index_cast %scan3A_418 : i32 to index
          %get3A_430 = arith.constant 32 : index
          %get3A_431 = tpu.vector_load %arg6[%get3A_429, %get3A_430] {strides = array<i32>} : memref<200x64xf32, #tpu.memory_space<vmem>>, vector<1x16xf32>,
          %get3A_432 = vector.shape_cast %get3A_431 : vector<1x16xf32> to vector<16xf32>
          %add3A_433 = arith.addf %add3A_411, %get3A_432 : vector<16xf32>
          %get3A_434 = arith.index_cast %scan3A_418 : i32 to index
          %get3A_435 = arith.constant 48 : index
          %get3A_436 = tpu.vector_load %arg6[%get3A_434, %get3A_435] {strides = array<i32>} : memref<200x64xf32, #tpu.memory_space<vmem>>, vector<1x16xf32>,
          %get3A_437 = vector.shape_cast %get3A_436 : vector<1x16xf32> to vector<16xf32>
          %add3A_438 = arith.addf %add3A_416, %get3A_437 : vector<16xf32>
          %scan3A_439 = arith.constant 3 : i32
          %scan3A_440 = arith.addi %scan3A_371, %scan3A_439 : i32
          %get3A_441 = arith.index_cast %scan3A_440 : i32 to index
          %get3A_442 = arith.constant 0 : index
          %get3A_443 = tpu.vector_load %arg6[%get3A_441, %get3A_442] {strides = array<i32>} : memref<200x64xf32, #tpu.memory_space<vmem>>, vector<1x16xf32>,
          %get3A_444 = vector.shape_cast %get3A_443 : vector<1x16xf32> to vector<16xf32>
          %add3A_445 = arith.addf %add3A_423, %get3A_444 : vector<16xf32>
          %get3A_446 = arith.index_cast %scan3A_440 : i32 to index
          %get3A_447 = arith.constant 16 : index
          %get3A_448 = tpu.vector_load %arg6[%get3A_446, %get3A_447] {strides = array<i32>} : memref<200x64xf32, #tpu.memory_space<vmem>>, vector<1x16xf32>,
          %get3A_449 = vector.shape_cast %get3A_448 : vector<1x16xf32> to vector<16xf32>
          %add3A_450 = arith.addf %add3A_428, %get3A_449 : vector<16xf32>
          %get3A_451 = arith.index_cast %scan3A_440 : i32 to index
          %get3A_452 = arith.constant 32 : index
          %get3A_453 = tpu.vector_load %arg6[%get3A_451, %get3A_452] {strides = array<i32>} : memref<200x64xf32, #tpu.memory_space<vmem>>, vector<1x16xf32>,
          %get3A_454 = vector.shape_cast %get3A_453 : vector<1x16xf32> to vector<16xf32>
          %add3A_455 = arith.addf %add3A_433, %get3A_454 : vector<16xf32>
          %get3A_456 = arith.index_cast %scan3A_440 : i32 to index
          %get3A_457 = arith.constant 48 : index
          %get3A_458 = tpu.vector_load %arg6[%get3A_456, %get3A_457] {strides = array<i32>} : memref<200x64xf32, #tpu.memory_space<vmem>>, vector<1x16xf32>,
          %get3A_459 = vector.shape_cast %get3A_458 : vector<1x16xf32> to vector<16xf32>
          %add3A_460 = arith.addf %add3A_438, %get3A_459 : vector<16xf32>
          %scan3A_461 = arith.constant 4 : i32
          %scan3A_462 = arith.addi %scan3A_371, %scan3A_461 : i32
          %get3A_463 = arith.index_cast %scan3A_462 : i32 to index
          %get3A_464 = arith.constant 0 : index
          %get3A_465 = tpu.vector_load %arg6[%get3A_463, %get3A_464] {strides = array<i32>} : memref<200x64xf32, #tpu.memory_space<vmem>>, vector<1x16xf32>,
          %get3A_466 = vector.shape_cast %get3A_465 : vector<1x16xf32> to vector<16xf32>
          %add3A_467 = arith.addf %add3A_445, %get3A_466 : vector<16xf32>
          %get3A_468 = arith.index_cast %scan3A_462 : i32 to index
          %get3A_469 = arith.constant 16 : index
          %get3A_470 = tpu.vector_load %arg6[%get3A_468, %get3A_469] {strides = array<i32>} : memref<200x64xf32, #tpu.memory_space<vmem>>, vector<1x16xf32>,
          %get3A_471 = vector.shape_cast %get3A_470 : vector<1x16xf32> to vector<16xf32>
          %add3A_472 = arith.addf %add3A_450, %get3A_471 : vector<16xf32>
          %get3A_473 = arith.index_cast %scan3A_462 : i32 to index
          %get3A_474 = arith.constant 32 : index
          %get3A_475 = tpu.vector_load %arg6[%get3A_473, %get3A_474] {strides = array<i32>} : memref<200x64xf32, #tpu.memory_space<vmem>>, vector<1x16xf32>,
          %get3A_476 = vector.shape_cast %get3A_475 : vector<1x16xf32> to vector<16xf32>
          %add3A_477 = arith.addf %add3A_455, %get3A_476 : vector<16xf32>
          %get3A_478 = arith.index_cast %scan3A_462 : i32 to index
          %get3A_479 = arith.constant 48 : index
          %get3A_480 = tpu.vector_load %arg6[%get3A_478, %get3A_479] {strides = array<i32>} : memref<200x64xf32, #tpu.memory_space<vmem>>, vector<1x16xf32>,
          %get3A_481 = vector.shape_cast %get3A_480 : vector<1x16xf32> to vector<16xf32>
          %add3A_482 = arith.addf %add3A_460, %get3A_481 : vector<16xf32>
          %scan3A_483 = arith.constant 5 : i32
          %scan3A_484 = arith.addi %scan3A_371, %scan3A_483 : i32
          %get3A_485 = arith.index_cast %scan3A_484 : i32 to index
          %get3A_486 = arith.constant 0 : index
          %get3A_487 = tpu.vector_load %arg6[%get3A_485, %get3A_486] {strides = array<i32>} : memref<200x64xf32, #tpu.memory_space<vmem>>, vector<1x16xf32>,
          %get3A_488 = vector.shape_cast %get3A_487 : vector<1x16xf32> to vector<16xf32>
          %add3A_489 = arith.addf %add3A_467, %get3A_488 : vector<16xf32>
          %get3A_490 = arith.index_cast %scan3A_484 : i32 to index
          %get3A_491 = arith.constant 16 : index
          %get3A_492 = tpu.vector_load %arg6[%get3A_490, %get3A_491] {strides = array<i32>} : memref<200x64xf32, #tpu.memory_space<vmem>>, vector<1x16xf32>,
          %get3A_493 = vector.shape_cast %get3A_492 : vector<1x16xf32> to vector<16xf32>
          %add3A_494 = arith.addf %add3A_472, %get3A_493 : vector<16xf32>
          %get3A_495 = arith.index_cast %scan3A_484 : i32 to index
          %get3A_496 = arith.constant 32 : index
          %get3A_497 = tpu.vector_load %arg6[%get3A_495, %get3A_496] {strides = array<i32>} : memref<200x64xf32, #tpu.memory_space<vmem>>, vector<1x16xf32>,
          %get3A_498 = vector.shape_cast %get3A_497 : vector<1x16xf32> to vector<16xf32>
          %add3A_499 = arith.addf %add3A_477, %get3A_498 : vector<16xf32>
          %get3A_500 = arith.index_cast %scan3A_484 : i32 to index
          %get3A_501 = arith.constant 48 : index
          %get3A_502 = tpu.vector_load %arg6[%get3A_500, %get3A_501] {strides = array<i32>} : memref<200x64xf32, #tpu.memory_space<vmem>>, vector<1x16xf32>,
          %get3A_503 = vector.shape_cast %get3A_502 : vector<1x16xf32> to vector<16xf32>
          %add3A_504 = arith.addf %add3A_482, %get3A_503 : vector<16xf32>
          %scan3A_505 = arith.constant 6 : i32
          %scan3A_506 = arith.addi %scan3A_371, %scan3A_505 : i32
          %get3A_507 = arith.index_cast %scan3A_506 : i32 to index
          %get3A_508 = arith.constant 0 : index
          %get3A_509 = tpu.vector_load %arg6[%get3A_507, %get3A_508] {strides = array<i32>} : memref<200x64xf32, #tpu.memory_space<vmem>>, vector<1x16xf32>,
          %get3A_510 = vector.shape_cast %get3A_509 : vector<1x16xf32> to vector<16xf32>
          %add3A_511 = arith.addf %add3A_489, %get3A_510 : vector<16xf32>
          %get3A_512 = arith.index_cast %scan3A_506 : i32 to index
          %get3A_513 = arith.constant 16 : index
          %get3A_514 = tpu.vector_load %arg6[%get3A_512, %get3A_513] {strides = array<i32>} : memref<200x64xf32, #tpu.memory_space<vmem>>, vector<1x16xf32>,
          %get3A_515 = vector.shape_cast %get3A_514 : vector<1x16xf32> to vector<16xf32>
          %add3A_516 = arith.addf %add3A_494, %get3A_515 : vector<16xf32>
          %get3A_517 = arith.index_cast %scan3A_506 : i32 to index
          %get3A_518 = arith.constant 32 : index
          %get3A_519 = tpu.vector_load %arg6[%get3A_517, %get3A_518] {strides = array<i32>} : memref<200x64xf32, #tpu.memory_space<vmem>>, vector<1x16xf32>,
          %get3A_520 = vector.shape_cast %get3A_519 : vector<1x16xf32> to vector<16xf32>
          %add3A_521 = arith.addf %add3A_499, %get3A_520 : vector<16xf32>
          %get3A_522 = arith.index_cast %scan3A_506 : i32 to index
          %get3A_523 = arith.constant 48 : index
          %get3A_524 = tpu.vector_load %arg6[%get3A_522, %get3A_523] {strides = array<i32>} : memref<200x64xf32, #tpu.memory_space<vmem>>, vector<1x16xf32>,
          %get3A_525 = vector.shape_cast %get3A_524 : vector<1x16xf32> to vector<16xf32>
          %add3A_526 = arith.addf %add3A_504, %get3A_525 : vector<16xf32>
          %scan3A_527 = arith.constant 7 : i32
          %scan3A_528 = arith.addi %scan3A_371, %scan3A_527 : i32
          %get3A_529 = arith.index_cast %scan3A_528 : i32 to index
          %get3A_530 = arith.constant 0 : index
          %get3A_531 = tpu.vector_load %arg6[%get3A_529, %get3A_530] {strides = array<i32>} : memref<200x64xf32, #tpu.memory_space<vmem>>, vector<1x16xf32>,
          %get3A_532 = vector.shape_cast %get3A_531 : vector<1x16xf32> to vector<16xf32>
          %add3A_533 = arith.addf %add3A_511, %get3A_532 : vector<16xf32>
          %get3A_534 = arith.index_cast %scan3A_528 : i32 to index
          %get3A_535 = arith.constant 16 : index
          %get3A_536 = tpu.vector_load %arg6[%get3A_534, %get3A_535] {strides = array<i32>} : memref<200x64xf32, #tpu.memory_space<vmem>>, vector<1x16xf32>,
          %get3A_537 = vector.shape_cast %get3A_536 : vector<1x16xf32> to vector<16xf32>
          %add3A_538 = arith.addf %add3A_516, %get3A_537 : vector<16xf32>
          %get3A_539 = arith.index_cast %scan3A_528 : i32 to index
          %get3A_540 = arith.constant 32 : index
          %get3A_541 = tpu.vector_load %arg6[%get3A_539, %get3A_540] {strides = array<i32>} : memref<200x64xf32, #tpu.memory_space<vmem>>, vector<1x16xf32>,
          %get3A_542 = vector.shape_cast %get3A_541 : vector<1x16xf32> to vector<16xf32>
          %add3A_543 = arith.addf %add3A_521, %get3A_542 : vector<16xf32>
          %get3A_544 = arith.index_cast %scan3A_528 : i32 to index
          %get3A_545 = arith.constant 48 : index
          %get3A_546 = tpu.vector_load %arg6[%get3A_544, %get3A_545] {strides = array<i32>} : memref<200x64xf32, #tpu.memory_space<vmem>>, vector<1x16xf32>,
          %get3A_547 = vector.shape_cast %get3A_546 : vector<1x16xf32> to vector<16xf32>
          %add3A_548 = arith.addf %add3A_526, %get3A_547 : vector<16xf32>
          scf.yield %add3A_533, %add3A_538, %add3A_543, %add3A_548 : vector<16xf32>, vector<16xf32>, vector<16xf32>, vector<16xf32>
        }
        %scan3A_132 = arith.constant 200 : i32
        %swap3A = arith.index_cast %add3A_113 : i32 to index
        %swap3A_133 = arith.constant 0 : index
        %swap3A_134 = tpu.vector_load %arg10[%swap3A, %swap3A_133] {strides = array<i32>} : memref<128x64xf32, #tpu.memory_space<vmem>>, vector<1x16xf32>,
        %swap3A_135 = vector.shape_cast %swap3A_134 : vector<1x16xf32> to vector<16xf32>
        %swap3A_136 = vector.shape_cast %scan3A_131#0 : vector<16xf32> to vector<1x16xf32>
        tpu.vector_store %arg10[%swap3A, %swap3A_133], %swap3A_136 {strides = array<i32>} : memref<128x64xf32, #tpu.memory_space<vmem>>, vector<1x16xf32>,
        %swap3A_137 = arith.index_cast %add3A_113 : i32 to index
        %swap3A_138 = arith.constant 16 : index
        %swap3A_139 = tpu.vector_load %arg10[%swap3A_137, %swap3A_138] {strides = array<i32>} : memref<128x64xf32, #tpu.memory_space<vmem>>, vector<1x16xf32>,
        %swap3A_140 = vector.shape_cast %swap3A_139 : vector<1x16xf32> to vector<16xf32>
        %swap3A_141 = vector.shape_cast %scan3A_131#1 : vector<16xf32> to vector<1x16xf32>
        tpu.vector_store %arg10[%swap3A_137, %swap3A_138], %swap3A_141 {strides = array<i32>} : memref<128x64xf32, #tpu.memory_space<vmem>>, vector<1x16xf32>,
        %swap3A_142 = arith.index_cast %add3A_113 : i32 to index
        %swap3A_143 = arith.constant 32 : index
        %swap3A_144 = tpu.vector_load %arg10[%swap3A_142, %swap3A_143] {strides = array<i32>} : memref<128x64xf32, #tpu.memory_space<vmem>>, vector<1x16xf32>,
        %swap3A_145 = vector.shape_cast %swap3A_144 : vector<1x16xf32> to vector<16xf32>
        %swap3A_146 = vector.shape_cast %scan3A_131#2 : vector<16xf32> to vector<1x16xf32>
        tpu.vector_store %arg10[%swap3A_142, %swap3A_143], %swap3A_146 {strides = array<i32>} : memref<128x64xf32, #tpu.memory_space<vmem>>, vector<1x16xf32>,
        %swap3A_147 = arith.index_cast %add3A_113 : i32 to index
        %swap3A_148 = arith.constant 48 : index
        %swap3A_149 = tpu.vector_load %arg10[%swap3A_147, %swap3A_148] {strides = array<i32>} : memref<128x64xf32, #tpu.memory_space<vmem>>, vector<1x16xf32>,
        %swap3A_150 = vector.shape_cast %swap3A_149 : vector<1x16xf32> to vector<16xf32>
        %swap3A_151 = vector.shape_cast %scan3A_131#3 : vector<16xf32> to vector<1x16xf32>
        tpu.vector_store %arg10[%swap3A_147, %swap3A_148], %swap3A_151 {strides = array<i32>} : memref<128x64xf32, #tpu.memory_space<vmem>>, vector<1x16xf32>,
        %add3A_152 = arith.constant 4 : i32
        %add3A_153 = arith.addi %add3A_113, %add3A_152 : i32
        %min3A = arith.constant 127 : i32
        %min3A_154 = arith.minsi %add3A_153, %min3A : i32
        %mul3A_155 = arith.constant 200 : i32
        %mul3A_156 = arith.muli %min3A_154, %mul3A_155 : i32
        %dma_start3A_157 = arith.constant 0 : i32
        %dma_start3A_158 = arith.constant 0 : i32
        %dma_start3A_159 = tpu.memref_slice %arg6[%dma_start3A_157, %dma_start3A_158] : memref<200x64xf32, #tpu.memory_space<vmem>> -> memref<128x64xf32, #tpu.memory_space<vmem>>
        %dma_start3A_160 = tpu.memref_slice %arg5[%mul3A_156] : memref<25600xi32, #tpu.memory_space<vmem>> -> memref<128xi32, #tpu.memory_space<vmem>>
        %dma_start3A_161 = arith.constant 0 : i32
        %dma_start3A_162 = arith.constant 0 : i32
        %dma_start3A_163 = tpu.memref_slice %arg3[%dma_start3A_161, %dma_start3A_162] : memref<1000000x64xf32, #tpu.memory_space<hbm>> -> memref<1000000x64xf32, #tpu.memory_space<hbm>>
        tpu.enqueue_indirect_dma source(%dma_start3A_163 : memref<1000000x64xf32, #tpu.memory_space<hbm>>) target(%dma_start3A_159 : memref<128x64xf32, #tpu.memory_space<vmem>>) offsets(%dma_start3A_160 : memref<128xi32, #tpu.memory_space<vmem>>) semaphore(%arg11 : memref<!tpu.dma_semaphore, #tpu.memory_space<semaphore_mem>>)
        %add3A_164 = arith.constant 128 : i32
        %add3A_165 = arith.addi %mul3A_156, %add3A_164 : i32
        %dma_start3A_166 = arith.constant 128 : i32
        %dma_start3A_167 = arith.constant 0 : i32
        %dma_start3A_168 = tpu.memref_slice %arg6[%dma_start3A_166, %dma_start3A_167] : memref<200x64xf32, #tpu.memory_space<vmem>> -> memref<72x64xf32, #tpu.memory_space<vmem>>
        %dma_start3A_169 = tpu.memref_slice %arg5[%add3A_165] : memref<25600xi32, #tpu.memory_space<vmem>> -> memref<72xi32, #tpu.memory_space<vmem>>
        %dma_start3A_170 = arith.constant 0 : i32
        %dma_start3A_171 = arith.constant 0 : i32
        %dma_start3A_172 = tpu.memref_slice %arg3[%dma_start3A_170, %dma_start3A_171] : memref<1000000x64xf32, #tpu.memory_space<hbm>> -> memref<1000000x64xf32, #tpu.memory_space<hbm>>
        tpu.enqueue_indirect_dma source(%dma_start3A_172 : memref<1000000x64xf32, #tpu.memory_space<hbm>>) target(%dma_start3A_168 : memref<72x64xf32, #tpu.memory_space<vmem>>) offsets(%dma_start3A_169 : memref<72xi32, #tpu.memory_space<vmem>>) semaphore(%arg11 : memref<!tpu.dma_semaphore, #tpu.memory_space<semaphore_mem>>)
        %mul3A_173 = arith.constant 4 : i32
        %mul3A_174 = arith.muli %mul3A_173, %scan3A_109 : i32
        %add3A_175 = arith.constant 1 : i32
        %add3A_176 = arith.addi %mul3A_174, %add3A_175 : i32
        %dma_wait3A_177 = arith.constant 0 : i32
        %dma_wait3A_178 = arith.constant 0 : i32
        %dma_wait3A_179 = tpu.memref_slice %arg3[%dma_wait3A_177, %dma_wait3A_178] : memref<1000000x64xf32, #tpu.memory_space<hbm>> -> memref<200x64xf32, #tpu.memory_space<hbm>>
        %dma_wait3A_180 = arith.constant 0 : i32
        %dma_wait3A_181 = arith.constant 0 : i32
        %dma_wait3A_182 = tpu.memref_slice %arg3[%dma_wait3A_180, %dma_wait3A_181] : memref<1000000x64xf32, #tpu.memory_space<hbm>> -> memref<200x64xf32, #tpu.memory_space<hbm>>
        tpu.wait_dma2 semaphore(%arg12 : memref<!tpu.dma_semaphore, #tpu.memory_space<semaphore_mem>>) src(%dma_wait3A_182 : memref<200x64xf32, #tpu.memory_space<hbm>>) dst(%arg7 : memref<200x64xf32, #tpu.memory_space<vmem>>)
        %broadcast_in_dim3A_183 = arith.constant 0.000000e+00 : f32
        %broadcast_in_dim3A_184 = vector.broadcast %broadcast_in_dim3A_183 : f32 to vector<16xf32>
        %broadcast_in_dim3A_185 = arith.constant 0.000000e+00 : f32
        %broadcast_in_dim3A_186 = vector.broadcast %broadcast_in_dim3A_185 : f32 to vector<16xf32>
        %broadcast_in_dim3A_187 = arith.constant 0.000000e+00 : f32
        %broadcast_in_dim3A_188 = vector.broadcast %broadcast_in_dim3A_187 : f32 to vector<16xf32>
        %broadcast_in_dim3A_189 = arith.constant 0.000000e+00 : f32
        %broadcast_in_dim3A_190 = vector.broadcast %broadcast_in_dim3A_189 : f32 to vector<16xf32>
        %scan3A_191 = arith.constant 0 : i32
        %scan3A_192 = arith.constant 200 : i32
        %scan3A_193 = arith.addi %scan3A_191, %scan3A_192 : i32
        %scan3A_194 = arith.constant 8 : i32
        %scan3A_195:4 = scf.for %scan3A_371 = %scan3A_191 to %scan3A_193 step %scan3A_194 iter_args(%scan3A_372 = %broadcast_in_dim3A_184, %scan3A_373 = %broadcast_in_dim3A_186, %scan3A_374 = %broadcast_in_dim3A_188, %scan3A_375 = %broadcast_in_dim3A_190) -> (vector<16xf32>, vector<16xf32>, vector<16xf32>, vector<16xf32>)  : i32 {
          %get3A = arith.index_cast %scan3A_371 : i32 to index
          %get3A_376 = arith.constant 0 : index
          %get3A_377 = tpu.vector_load %arg7[%get3A, %get3A_376] {strides = array<i32>} : memref<200x64xf32, #tpu.memory_space<vmem>>, vector<1x16xf32>,
          %get3A_378 = vector.shape_cast %get3A_377 : vector<1x16xf32> to vector<16xf32>
          %add3A_379 = arith.addf %scan3A_372, %get3A_378 : vector<16xf32>
          %get3A_380 = arith.index_cast %scan3A_371 : i32 to index
          %get3A_381 = arith.constant 16 : index
          %get3A_382 = tpu.vector_load %arg7[%get3A_380, %get3A_381] {strides = array<i32>} : memref<200x64xf32, #tpu.memory_space<vmem>>, vector<1x16xf32>,
          %get3A_383 = vector.shape_cast %get3A_382 : vector<1x16xf32> to vector<16xf32>
          %add3A_384 = arith.addf %scan3A_373, %get3A_383 : vector<16xf32>
          %get3A_385 = arith.index_cast %scan3A_371 : i32 to index
          %get3A_386 = arith.constant 32 : index
          %get3A_387 = tpu.vector_load %arg7[%get3A_385, %get3A_386] {strides = array<i32>} : memref<200x64xf32, #tpu.memory_space<vmem>>, vector<1x16xf32>,
          %get3A_388 = vector.shape_cast %get3A_387 : vector<1x16xf32> to vector<16xf32>
          %add3A_389 = arith.addf %scan3A_374, %get3A_388 : vector<16xf32>
          %get3A_390 = arith.index_cast %scan3A_371 : i32 to index
          %get3A_391 = arith.constant 48 : index
          %get3A_392 = tpu.vector_load %arg7[%get3A_390, %get3A_391] {strides = array<i32>} : memref<200x64xf32, #tpu.memory_space<vmem>>, vector<1x16xf32>,
          %get3A_393 = vector.shape_cast %get3A_392 : vector<1x16xf32> to vector<16xf32>
          %add3A_394 = arith.addf %scan3A_375, %get3A_393 : vector<16xf32>
          %scan3A_395 = arith.constant 1 : i32
          %scan3A_396 = arith.addi %scan3A_371, %scan3A_395 : i32
          %get3A_397 = arith.index_cast %scan3A_396 : i32 to index
          %get3A_398 = arith.constant 0 : index
          %get3A_399 = tpu.vector_load %arg7[%get3A_397, %get3A_398] {strides = array<i32>} : memref<200x64xf32, #tpu.memory_space<vmem>>, vector<1x16xf32>,
          %get3A_400 = vector.shape_cast %get3A_399 : vector<1x16xf32> to vector<16xf32>
          %add3A_401 = arith.addf %add3A_379, %get3A_400 : vector<16xf32>
          %get3A_402 = arith.index_cast %scan3A_396 : i32 to index
          %get3A_403 = arith.constant 16 : index
          %get3A_404 = tpu.vector_load %arg7[%get3A_402, %get3A_403] {strides = array<i32>} : memref<200x64xf32, #tpu.memory_space<vmem>>, vector<1x16xf32>,
          %get3A_405 = vector.shape_cast %get3A_404 : vector<1x16xf32> to vector<16xf32>
          %add3A_406 = arith.addf %add3A_384, %get3A_405 : vector<16xf32>
          %get3A_407 = arith.index_cast %scan3A_396 : i32 to index
          %get3A_408 = arith.constant 32 : index
          %get3A_409 = tpu.vector_load %arg7[%get3A_407, %get3A_408] {strides = array<i32>} : memref<200x64xf32, #tpu.memory_space<vmem>>, vector<1x16xf32>,
          %get3A_410 = vector.shape_cast %get3A_409 : vector<1x16xf32> to vector<16xf32>
          %add3A_411 = arith.addf %add3A_389, %get3A_410 : vector<16xf32>
          %get3A_412 = arith.index_cast %scan3A_396 : i32 to index
          %get3A_413 = arith.constant 48 : index
          %get3A_414 = tpu.vector_load %arg7[%get3A_412, %get3A_413] {strides = array<i32>} : memref<200x64xf32, #tpu.memory_space<vmem>>, vector<1x16xf32>,
          %get3A_415 = vector.shape_cast %get3A_414 : vector<1x16xf32> to vector<16xf32>
          %add3A_416 = arith.addf %add3A_394, %get3A_415 : vector<16xf32>
          %scan3A_417 = arith.constant 2 : i32
          %scan3A_418 = arith.addi %scan3A_371, %scan3A_417 : i32
          %get3A_419 = arith.index_cast %scan3A_418 : i32 to index
          %get3A_420 = arith.constant 0 : index
          %get3A_421 = tpu.vector_load %arg7[%get3A_419, %get3A_420] {strides = array<i32>} : memref<200x64xf32, #tpu.memory_space<vmem>>, vector<1x16xf32>,
          %get3A_422 = vector.shape_cast %get3A_421 : vector<1x16xf32> to vector<16xf32>
          %add3A_423 = arith.addf %add3A_401, %get3A_422 : vector<16xf32>
          %get3A_424 = arith.index_cast %scan3A_418 : i32 to index
          %get3A_425 = arith.constant 16 : index
          %get3A_426 = tpu.vector_load %arg7[%get3A_424, %get3A_425] {strides = array<i32>} : memref<200x64xf32, #tpu.memory_space<vmem>>, vector<1x16xf32>,
          %get3A_427 = vector.shape_cast %get3A_426 : vector<1x16xf32> to vector<16xf32>
          %add3A_428 = arith.addf %add3A_406, %get3A_427 : vector<16xf32>
          %get3A_429 = arith.index_cast %scan3A_418 : i32 to index
          %get3A_430 = arith.constant 32 : index
          %get3A_431 = tpu.vector_load %arg7[%get3A_429, %get3A_430] {strides = array<i32>} : memref<200x64xf32, #tpu.memory_space<vmem>>, vector<1x16xf32>,
          %get3A_432 = vector.shape_cast %get3A_431 : vector<1x16xf32> to vector<16xf32>
          %add3A_433 = arith.addf %add3A_411, %get3A_432 : vector<16xf32>
          %get3A_434 = arith.index_cast %scan3A_418 : i32 to index
          %get3A_435 = arith.constant 48 : index
          %get3A_436 = tpu.vector_load %arg7[%get3A_434, %get3A_435] {strides = array<i32>} : memref<200x64xf32, #tpu.memory_space<vmem>>, vector<1x16xf32>,
          %get3A_437 = vector.shape_cast %get3A_436 : vector<1x16xf32> to vector<16xf32>
          %add3A_438 = arith.addf %add3A_416, %get3A_437 : vector<16xf32>
          %scan3A_439 = arith.constant 3 : i32
          %scan3A_440 = arith.addi %scan3A_371, %scan3A_439 : i32
          %get3A_441 = arith.index_cast %scan3A_440 : i32 to index
          %get3A_442 = arith.constant 0 : index
          %get3A_443 = tpu.vector_load %arg7[%get3A_441, %get3A_442] {strides = array<i32>} : memref<200x64xf32, #tpu.memory_space<vmem>>, vector<1x16xf32>,
          %get3A_444 = vector.shape_cast %get3A_443 : vector<1x16xf32> to vector<16xf32>
          %add3A_445 = arith.addf %add3A_423, %get3A_444 : vector<16xf32>
          %get3A_446 = arith.index_cast %scan3A_440 : i32 to index
          %get3A_447 = arith.constant 16 : index
          %get3A_448 = tpu.vector_load %arg7[%get3A_446, %get3A_447] {strides = array<i32>} : memref<200x64xf32, #tpu.memory_space<vmem>>, vector<1x16xf32>,
          %get3A_449 = vector.shape_cast %get3A_448 : vector<1x16xf32> to vector<16xf32>
          %add3A_450 = arith.addf %add3A_428, %get3A_449 : vector<16xf32>
          %get3A_451 = arith.index_cast %scan3A_440 : i32 to index
          %get3A_452 = arith.constant 32 : index
          %get3A_453 = tpu.vector_load %arg7[%get3A_451, %get3A_452] {strides = array<i32>} : memref<200x64xf32, #tpu.memory_space<vmem>>, vector<1x16xf32>,
          %get3A_454 = vector.shape_cast %get3A_453 : vector<1x16xf32> to vector<16xf32>
          %add3A_455 = arith.addf %add3A_433, %get3A_454 : vector<16xf32>
          %get3A_456 = arith.index_cast %scan3A_440 : i32 to index
          %get3A_457 = arith.constant 48 : index
          %get3A_458 = tpu.vector_load %arg7[%get3A_456, %get3A_457] {strides = array<i32>} : memref<200x64xf32, #tpu.memory_space<vmem>>, vector<1x16xf32>,
          %get3A_459 = vector.shape_cast %get3A_458 : vector<1x16xf32> to vector<16xf32>
          %add3A_460 = arith.addf %add3A_438, %get3A_459 : vector<16xf32>
          %scan3A_461 = arith.constant 4 : i32
          %scan3A_462 = arith.addi %scan3A_371, %scan3A_461 : i32
          %get3A_463 = arith.index_cast %scan3A_462 : i32 to index
          %get3A_464 = arith.constant 0 : index
          %get3A_465 = tpu.vector_load %arg7[%get3A_463, %get3A_464] {strides = array<i32>} : memref<200x64xf32, #tpu.memory_space<vmem>>, vector<1x16xf32>,
          %get3A_466 = vector.shape_cast %get3A_465 : vector<1x16xf32> to vector<16xf32>
          %add3A_467 = arith.addf %add3A_445, %get3A_466 : vector<16xf32>
          %get3A_468 = arith.index_cast %scan3A_462 : i32 to index
          %get3A_469 = arith.constant 16 : index
          %get3A_470 = tpu.vector_load %arg7[%get3A_468, %get3A_469] {strides = array<i32>} : memref<200x64xf32, #tpu.memory_space<vmem>>, vector<1x16xf32>,
          %get3A_471 = vector.shape_cast %get3A_470 : vector<1x16xf32> to vector<16xf32>
          %add3A_472 = arith.addf %add3A_450, %get3A_471 : vector<16xf32>
          %get3A_473 = arith.index_cast %scan3A_462 : i32 to index
          %get3A_474 = arith.constant 32 : index
          %get3A_475 = tpu.vector_load %arg7[%get3A_473, %get3A_474] {strides = array<i32>} : memref<200x64xf32, #tpu.memory_space<vmem>>, vector<1x16xf32>,
          %get3A_476 = vector.shape_cast %get3A_475 : vector<1x16xf32> to vector<16xf32>
          %add3A_477 = arith.addf %add3A_455, %get3A_476 : vector<16xf32>
          %get3A_478 = arith.index_cast %scan3A_462 : i32 to index
          %get3A_479 = arith.constant 48 : index
          %get3A_480 = tpu.vector_load %arg7[%get3A_478, %get3A_479] {strides = array<i32>} : memref<200x64xf32, #tpu.memory_space<vmem>>, vector<1x16xf32>,
          %get3A_481 = vector.shape_cast %get3A_480 : vector<1x16xf32> to vector<16xf32>
          %add3A_482 = arith.addf %add3A_460, %get3A_481 : vector<16xf32>
          %scan3A_483 = arith.constant 5 : i32
          %scan3A_484 = arith.addi %scan3A_371, %scan3A_483 : i32
          %get3A_485 = arith.index_cast %scan3A_484 : i32 to index
          %get3A_486 = arith.constant 0 : index
          %get3A_487 = tpu.vector_load %arg7[%get3A_485, %get3A_486] {strides = array<i32>} : memref<200x64xf32, #tpu.memory_space<vmem>>, vector<1x16xf32>,
          %get3A_488 = vector.shape_cast %get3A_487 : vector<1x16xf32> to vector<16xf32>
          %add3A_489 = arith.addf %add3A_467, %get3A_488 : vector<16xf32>
          %get3A_490 = arith.index_cast %scan3A_484 : i32 to index
          %get3A_491 = arith.constant 16 : index
          %get3A_492 = tpu.vector_load %arg7[%get3A_490, %get3A_491] {strides = array<i32>} : memref<200x64xf32, #tpu.memory_space<vmem>>, vector<1x16xf32>,
          %get3A_493 = vector.shape_cast %get3A_492 : vector<1x16xf32> to vector<16xf32>
          %add3A_494 = arith.addf %add3A_472, %get3A_493 : vector<16xf32>
          %get3A_495 = arith.index_cast %scan3A_484 : i32 to index
          %get3A_496 = arith.constant 32 : index
          %get3A_497 = tpu.vector_load %arg7[%get3A_495, %get3A_496] {strides = array<i32>} : memref<200x64xf32, #tpu.memory_space<vmem>>, vector<1x16xf32>,
          %get3A_498 = vector.shape_cast %get3A_497 : vector<1x16xf32> to vector<16xf32>
          %add3A_499 = arith.addf %add3A_477, %get3A_498 : vector<16xf32>
          %get3A_500 = arith.index_cast %scan3A_484 : i32 to index
          %get3A_501 = arith.constant 48 : index
          %get3A_502 = tpu.vector_load %arg7[%get3A_500, %get3A_501] {strides = array<i32>} : memref<200x64xf32, #tpu.memory_space<vmem>>, vector<1x16xf32>,
          %get3A_503 = vector.shape_cast %get3A_502 : vector<1x16xf32> to vector<16xf32>
          %add3A_504 = arith.addf %add3A_482, %get3A_503 : vector<16xf32>
          %scan3A_505 = arith.constant 6 : i32
          %scan3A_506 = arith.addi %scan3A_371, %scan3A_505 : i32
          %get3A_507 = arith.index_cast %scan3A_506 : i32 to index
          %get3A_508 = arith.constant 0 : index
          %get3A_509 = tpu.vector_load %arg7[%get3A_507, %get3A_508] {strides = array<i32>} : memref<200x64xf32, #tpu.memory_space<vmem>>, vector<1x16xf32>,
          %get3A_510 = vector.shape_cast %get3A_509 : vector<1x16xf32> to vector<16xf32>
          %add3A_511 = arith.addf %add3A_489, %get3A_510 : vector<16xf32>
          %get3A_512 = arith.index_cast %scan3A_506 : i32 to index
          %get3A_513 = arith.constant 16 : index
          %get3A_514 = tpu.vector_load %arg7[%get3A_512, %get3A_513] {strides = array<i32>} : memref<200x64xf32, #tpu.memory_space<vmem>>, vector<1x16xf32>,
          %get3A_515 = vector.shape_cast %get3A_514 : vector<1x16xf32> to vector<16xf32>
          %add3A_516 = arith.addf %add3A_494, %get3A_515 : vector<16xf32>
          %get3A_517 = arith.index_cast %scan3A_506 : i32 to index
          %get3A_518 = arith.constant 32 : index
          %get3A_519 = tpu.vector_load %arg7[%get3A_517, %get3A_518] {strides = array<i32>} : memref<200x64xf32, #tpu.memory_space<vmem>>, vector<1x16xf32>,
          %get3A_520 = vector.shape_cast %get3A_519 : vector<1x16xf32> to vector<16xf32>
          %add3A_521 = arith.addf %add3A_499, %get3A_520 : vector<16xf32>
          %get3A_522 = arith.index_cast %scan3A_506 : i32 to index
          %get3A_523 = arith.constant 48 : index
          %get3A_524 = tpu.vector_load %arg7[%get3A_522, %get3A_523] {strides = array<i32>} : memref<200x64xf32, #tpu.memory_space<vmem>>, vector<1x16xf32>,
          %get3A_525 = vector.shape_cast %get3A_524 : vector<1x16xf32> to vector<16xf32>
          %add3A_526 = arith.addf %add3A_504, %get3A_525 : vector<16xf32>
          %scan3A_527 = arith.constant 7 : i32
          %scan3A_528 = arith.addi %scan3A_371, %scan3A_527 : i32
          %get3A_529 = arith.index_cast %scan3A_528 : i32 to index
          %get3A_530 = arith.constant 0 : index
          %get3A_531 = tpu.vector_load %arg7[%get3A_529, %get3A_530] {strides = array<i32>} : memref<200x64xf32, #tpu.memory_space<vmem>>, vector<1x16xf32>,
          %get3A_532 = vector.shape_cast %get3A_531 : vector<1x16xf32> to vector<16xf32>
          %add3A_533 = arith.addf %add3A_511, %get3A_532 : vector<16xf32>
          %get3A_534 = arith.index_cast %scan3A_528 : i32 to index
          %get3A_535 = arith.constant 16 : index
          %get3A_536 = tpu.vector_load %arg7[%get3A_534, %get3A_535] {strides = array<i32>} : memref<200x64xf32, #tpu.memory_space<vmem>>, vector<1x16xf32>,
          %get3A_537 = vector.shape_cast %get3A_536 : vector<1x16xf32> to vector<16xf32>
          %add3A_538 = arith.addf %add3A_516, %get3A_537 : vector<16xf32>
          %get3A_539 = arith.index_cast %scan3A_528 : i32 to index
          %get3A_540 = arith.constant 32 : index
          %get3A_541 = tpu.vector_load %arg7[%get3A_539, %get3A_540] {strides = array<i32>} : memref<200x64xf32, #tpu.memory_space<vmem>>, vector<1x16xf32>,
          %get3A_542 = vector.shape_cast %get3A_541 : vector<1x16xf32> to vector<16xf32>
          %add3A_543 = arith.addf %add3A_521, %get3A_542 : vector<16xf32>
          %get3A_544 = arith.index_cast %scan3A_528 : i32 to index
          %get3A_545 = arith.constant 48 : index
          %get3A_546 = tpu.vector_load %arg7[%get3A_544, %get3A_545] {strides = array<i32>} : memref<200x64xf32, #tpu.memory_space<vmem>>, vector<1x16xf32>,
          %get3A_547 = vector.shape_cast %get3A_546 : vector<1x16xf32> to vector<16xf32>
          %add3A_548 = arith.addf %add3A_526, %get3A_547 : vector<16xf32>
          scf.yield %add3A_533, %add3A_538, %add3A_543, %add3A_548 : vector<16xf32>, vector<16xf32>, vector<16xf32>, vector<16xf32>
        }
        %scan3A_196 = arith.constant 200 : i32
        %swap3A_197 = arith.index_cast %add3A_176 : i32 to index
        %swap3A_198 = arith.constant 0 : index
        %swap3A_199 = tpu.vector_load %arg10[%swap3A_197, %swap3A_198] {strides = array<i32>} : memref<128x64xf32, #tpu.memory_space<vmem>>, vector<1x16xf32>,
        %swap3A_200 = vector.shape_cast %swap3A_199 : vector<1x16xf32> to vector<16xf32>
        %swap3A_201 = vector.shape_cast %scan3A_195#0 : vector<16xf32> to vector<1x16xf32>
        tpu.vector_store %arg10[%swap3A_197, %swap3A_198], %swap3A_201 {strides = array<i32>} : memref<128x64xf32, #tpu.memory_space<vmem>>, vector<1x16xf32>,
        %swap3A_202 = arith.index_cast %add3A_176 : i32 to index
        %swap3A_203 = arith.constant 16 : index
        %swap3A_204 = tpu.vector_load %arg10[%swap3A_202, %swap3A_203] {strides = array<i32>} : memref<128x64xf32, #tpu.memory_space<vmem>>, vector<1x16xf32>,
        %swap3A_205 = vector.shape_cast %swap3A_204 : vector<1x16xf32> to vector<16xf32>
        %swap3A_206 = vector.shape_cast %scan3A_195#1 : vector<16xf32> to vector<1x16xf32>
        tpu.vector_store %arg10[%swap3A_202, %swap3A_203], %swap3A_206 {strides = array<i32>} : memref<128x64xf32, #tpu.memory_space<vmem>>, vector<1x16xf32>,
        %swap3A_207 = arith.index_cast %add3A_176 : i32 to index
        %swap3A_208 = arith.constant 32 : index
        %swap3A_209 = tpu.vector_load %arg10[%swap3A_207, %swap3A_208] {strides = array<i32>} : memref<128x64xf32, #tpu.memory_space<vmem>>, vector<1x16xf32>,
        %swap3A_210 = vector.shape_cast %swap3A_209 : vector<1x16xf32> to vector<16xf32>
        %swap3A_211 = vector.shape_cast %scan3A_195#2 : vector<16xf32> to vector<1x16xf32>
        tpu.vector_store %arg10[%swap3A_207, %swap3A_208], %swap3A_211 {strides = array<i32>} : memref<128x64xf32, #tpu.memory_space<vmem>>, vector<1x16xf32>,
        %swap3A_212 = arith.index_cast %add3A_176 : i32 to index
        %swap3A_213 = arith.constant 48 : index
        %swap3A_214 = tpu.vector_load %arg10[%swap3A_212, %swap3A_213] {strides = array<i32>} : memref<128x64xf32, #tpu.memory_space<vmem>>, vector<1x16xf32>,
        %swap3A_215 = vector.shape_cast %swap3A_214 : vector<1x16xf32> to vector<16xf32>
        %swap3A_216 = vector.shape_cast %scan3A_195#3 : vector<16xf32> to vector<1x16xf32>
        tpu.vector_store %arg10[%swap3A_212, %swap3A_213], %swap3A_216 {strides = array<i32>} : memref<128x64xf32, #tpu.memory_space<vmem>>, vector<1x16xf32>,
        %add3A_217 = arith.constant 4 : i32
        %add3A_218 = arith.addi %add3A_176, %add3A_217 : i32
        %min3A_219 = arith.constant 127 : i32
        %min3A_220 = arith.minsi %add3A_218, %min3A_219 : i32
        %mul3A_221 = arith.constant 200 : i32
        %mul3A_222 = arith.muli %min3A_220, %mul3A_221 : i32
        %dma_start3A_223 = arith.constant 0 : i32
        %dma_start3A_224 = arith.constant 0 : i32
        %dma_start3A_225 = tpu.memref_slice %arg7[%dma_start3A_223, %dma_start3A_224] : memref<200x64xf32, #tpu.memory_space<vmem>> -> memref<128x64xf32, #tpu.memory_space<vmem>>
        %dma_start3A_226 = tpu.memref_slice %arg5[%mul3A_222] : memref<25600xi32, #tpu.memory_space<vmem>> -> memref<128xi32, #tpu.memory_space<vmem>>
        %dma_start3A_227 = arith.constant 0 : i32
        %dma_start3A_228 = arith.constant 0 : i32
        %dma_start3A_229 = tpu.memref_slice %arg3[%dma_start3A_227, %dma_start3A_228] : memref<1000000x64xf32, #tpu.memory_space<hbm>> -> memref<1000000x64xf32, #tpu.memory_space<hbm>>
        tpu.enqueue_indirect_dma source(%dma_start3A_229 : memref<1000000x64xf32, #tpu.memory_space<hbm>>) target(%dma_start3A_225 : memref<128x64xf32, #tpu.memory_space<vmem>>) offsets(%dma_start3A_226 : memref<128xi32, #tpu.memory_space<vmem>>) semaphore(%arg12 : memref<!tpu.dma_semaphore, #tpu.memory_space<semaphore_mem>>)
        %add3A_230 = arith.constant 128 : i32
        %add3A_231 = arith.addi %mul3A_222, %add3A_230 : i32
        %dma_start3A_232 = arith.constant 128 : i32
        %dma_start3A_233 = arith.constant 0 : i32
        %dma_start3A_234 = tpu.memref_slice %arg7[%dma_start3A_232, %dma_start3A_233] : memref<200x64xf32, #tpu.memory_space<vmem>> -> memref<72x64xf32, #tpu.memory_space<vmem>>
        %dma_start3A_235 = tpu.memref_slice %arg5[%add3A_231] : memref<25600xi32, #tpu.memory_space<vmem>> -> memref<72xi32, #tpu.memory_space<vmem>>
        %dma_start3A_236 = arith.constant 0 : i32
        %dma_start3A_237 = arith.constant 0 : i32
        %dma_start3A_238 = tpu.memref_slice %arg3[%dma_start3A_236, %dma_start3A_237] : memref<1000000x64xf32, #tpu.memory_space<hbm>> -> memref<1000000x64xf32, #tpu.memory_space<hbm>>
        tpu.enqueue_indirect_dma source(%dma_start3A_238 : memref<1000000x64xf32, #tpu.memory_space<hbm>>) target(%dma_start3A_234 : memref<72x64xf32, #tpu.memory_space<vmem>>) offsets(%dma_start3A_235 : memref<72xi32, #tpu.memory_space<vmem>>) semaphore(%arg12 : memref<!tpu.dma_semaphore, #tpu.memory_space<semaphore_mem>>)
        %mul3A_239 = arith.constant 4 : i32
        %mul3A_240 = arith.muli %mul3A_239, %scan3A_109 : i32
        %add3A_241 = arith.constant 2 : i32
        %add3A_242 = arith.addi %mul3A_240, %add3A_241 : i32
        %dma_wait3A_243 = arith.constant 0 : i32
        %dma_wait3A_244 = arith.constant 0 : i32
        %dma_wait3A_245 = tpu.memref_slice %arg3[%dma_wait3A_243, %dma_wait3A_244] : memref<1000000x64xf32, #tpu.memory_space<hbm>> -> memref<200x64xf32, #tpu.memory_space<hbm>>
        %dma_wait3A_246 = arith.constant 0 : i32
        %dma_wait3A_247 = arith.constant 0 : i32
        %dma_wait3A_248 = tpu.memref_slice %arg3[%dma_wait3A_246, %dma_wait3A_247] : memref<1000000x64xf32, #tpu.memory_space<hbm>> -> memref<200x64xf32, #tpu.memory_space<hbm>>
        tpu.wait_dma2 semaphore(%arg13 : memref<!tpu.dma_semaphore, #tpu.memory_space<semaphore_mem>>) src(%dma_wait3A_248 : memref<200x64xf32, #tpu.memory_space<hbm>>) dst(%arg8 : memref<200x64xf32, #tpu.memory_space<vmem>>)
        %broadcast_in_dim3A_249 = arith.constant 0.000000e+00 : f32
        %broadcast_in_dim3A_250 = vector.broadcast %broadcast_in_dim3A_249 : f32 to vector<16xf32>
        %broadcast_in_dim3A_251 = arith.constant 0.000000e+00 : f32
        %broadcast_in_dim3A_252 = vector.broadcast %broadcast_in_dim3A_251 : f32 to vector<16xf32>
        %broadcast_in_dim3A_253 = arith.constant 0.000000e+00 : f32
        %broadcast_in_dim3A_254 = vector.broadcast %broadcast_in_dim3A_253 : f32 to vector<16xf32>
        %broadcast_in_dim3A_255 = arith.constant 0.000000e+00 : f32
        %broadcast_in_dim3A_256 = vector.broadcast %broadcast_in_dim3A_255 : f32 to vector<16xf32>
        %scan3A_257 = arith.constant 0 : i32
        %scan3A_258 = arith.constant 200 : i32
        %scan3A_259 = arith.addi %scan3A_257, %scan3A_258 : i32
        %scan3A_260 = arith.constant 8 : i32
        %scan3A_261:4 = scf.for %scan3A_371 = %scan3A_257 to %scan3A_259 step %scan3A_260 iter_args(%scan3A_372 = %broadcast_in_dim3A_250, %scan3A_373 = %broadcast_in_dim3A_252, %scan3A_374 = %broadcast_in_dim3A_254, %scan3A_375 = %broadcast_in_dim3A_256) -> (vector<16xf32>, vector<16xf32>, vector<16xf32>, vector<16xf32>)  : i32 {
          %get3A = arith.index_cast %scan3A_371 : i32 to index
          %get3A_376 = arith.constant 0 : index
          %get3A_377 = tpu.vector_load %arg8[%get3A, %get3A_376] {strides = array<i32>} : memref<200x64xf32, #tpu.memory_space<vmem>>, vector<1x16xf32>,
          %get3A_378 = vector.shape_cast %get3A_377 : vector<1x16xf32> to vector<16xf32>
          %add3A_379 = arith.addf %scan3A_372, %get3A_378 : vector<16xf32>
          %get3A_380 = arith.index_cast %scan3A_371 : i32 to index
          %get3A_381 = arith.constant 16 : index
          %get3A_382 = tpu.vector_load %arg8[%get3A_380, %get3A_381] {strides = array<i32>} : memref<200x64xf32, #tpu.memory_space<vmem>>, vector<1x16xf32>,
          %get3A_383 = vector.shape_cast %get3A_382 : vector<1x16xf32> to vector<16xf32>
          %add3A_384 = arith.addf %scan3A_373, %get3A_383 : vector<16xf32>
          %get3A_385 = arith.index_cast %scan3A_371 : i32 to index
          %get3A_386 = arith.constant 32 : index
          %get3A_387 = tpu.vector_load %arg8[%get3A_385, %get3A_386] {strides = array<i32>} : memref<200x64xf32, #tpu.memory_space<vmem>>, vector<1x16xf32>,
          %get3A_388 = vector.shape_cast %get3A_387 : vector<1x16xf32> to vector<16xf32>
          %add3A_389 = arith.addf %scan3A_374, %get3A_388 : vector<16xf32>
          %get3A_390 = arith.index_cast %scan3A_371 : i32 to index
          %get3A_391 = arith.constant 48 : index
          %get3A_392 = tpu.vector_load %arg8[%get3A_390, %get3A_391] {strides = array<i32>} : memref<200x64xf32, #tpu.memory_space<vmem>>, vector<1x16xf32>,
          %get3A_393 = vector.shape_cast %get3A_392 : vector<1x16xf32> to vector<16xf32>
          %add3A_394 = arith.addf %scan3A_375, %get3A_393 : vector<16xf32>
          %scan3A_395 = arith.constant 1 : i32
          %scan3A_396 = arith.addi %scan3A_371, %scan3A_395 : i32
          %get3A_397 = arith.index_cast %scan3A_396 : i32 to index
          %get3A_398 = arith.constant 0 : index
          %get3A_399 = tpu.vector_load %arg8[%get3A_397, %get3A_398] {strides = array<i32>} : memref<200x64xf32, #tpu.memory_space<vmem>>, vector<1x16xf32>,
          %get3A_400 = vector.shape_cast %get3A_399 : vector<1x16xf32> to vector<16xf32>
          %add3A_401 = arith.addf %add3A_379, %get3A_400 : vector<16xf32>
          %get3A_402 = arith.index_cast %scan3A_396 : i32 to index
          %get3A_403 = arith.constant 16 : index
          %get3A_404 = tpu.vector_load %arg8[%get3A_402, %get3A_403] {strides = array<i32>} : memref<200x64xf32, #tpu.memory_space<vmem>>, vector<1x16xf32>,
          %get3A_405 = vector.shape_cast %get3A_404 : vector<1x16xf32> to vector<16xf32>
          %add3A_406 = arith.addf %add3A_384, %get3A_405 : vector<16xf32>
          %get3A_407 = arith.index_cast %scan3A_396 : i32 to index
          %get3A_408 = arith.constant 32 : index
          %get3A_409 = tpu.vector_load %arg8[%get3A_407, %get3A_408] {strides = array<i32>} : memref<200x64xf32, #tpu.memory_space<vmem>>, vector<1x16xf32>,
          %get3A_410 = vector.shape_cast %get3A_409 : vector<1x16xf32> to vector<16xf32>
          %add3A_411 = arith.addf %add3A_389, %get3A_410 : vector<16xf32>
          %get3A_412 = arith.index_cast %scan3A_396 : i32 to index
          %get3A_413 = arith.constant 48 : index
          %get3A_414 = tpu.vector_load %arg8[%get3A_412, %get3A_413] {strides = array<i32>} : memref<200x64xf32, #tpu.memory_space<vmem>>, vector<1x16xf32>,
          %get3A_415 = vector.shape_cast %get3A_414 : vector<1x16xf32> to vector<16xf32>
          %add3A_416 = arith.addf %add3A_394, %get3A_415 : vector<16xf32>
          %scan3A_417 = arith.constant 2 : i32
          %scan3A_418 = arith.addi %scan3A_371, %scan3A_417 : i32
          %get3A_419 = arith.index_cast %scan3A_418 : i32 to index
          %get3A_420 = arith.constant 0 : index
          %get3A_421 = tpu.vector_load %arg8[%get3A_419, %get3A_420] {strides = array<i32>} : memref<200x64xf32, #tpu.memory_space<vmem>>, vector<1x16xf32>,
          %get3A_422 = vector.shape_cast %get3A_421 : vector<1x16xf32> to vector<16xf32>
          %add3A_423 = arith.addf %add3A_401, %get3A_422 : vector<16xf32>
          %get3A_424 = arith.index_cast %scan3A_418 : i32 to index
          %get3A_425 = arith.constant 16 : index
          %get3A_426 = tpu.vector_load %arg8[%get3A_424, %get3A_425] {strides = array<i32>} : memref<200x64xf32, #tpu.memory_space<vmem>>, vector<1x16xf32>,
          %get3A_427 = vector.shape_cast %get3A_426 : vector<1x16xf32> to vector<16xf32>
          %add3A_428 = arith.addf %add3A_406, %get3A_427 : vector<16xf32>
          %get3A_429 = arith.index_cast %scan3A_418 : i32 to index
          %get3A_430 = arith.constant 32 : index
          %get3A_431 = tpu.vector_load %arg8[%get3A_429, %get3A_430] {strides = array<i32>} : memref<200x64xf32, #tpu.memory_space<vmem>>, vector<1x16xf32>,
          %get3A_432 = vector.shape_cast %get3A_431 : vector<1x16xf32> to vector<16xf32>
          %add3A_433 = arith.addf %add3A_411, %get3A_432 : vector<16xf32>
          %get3A_434 = arith.index_cast %scan3A_418 : i32 to index
          %get3A_435 = arith.constant 48 : index
          %get3A_436 = tpu.vector_load %arg8[%get3A_434, %get3A_435] {strides = array<i32>} : memref<200x64xf32, #tpu.memory_space<vmem>>, vector<1x16xf32>,
          %get3A_437 = vector.shape_cast %get3A_436 : vector<1x16xf32> to vector<16xf32>
          %add3A_438 = arith.addf %add3A_416, %get3A_437 : vector<16xf32>
          %scan3A_439 = arith.constant 3 : i32
          %scan3A_440 = arith.addi %scan3A_371, %scan3A_439 : i32
          %get3A_441 = arith.index_cast %scan3A_440 : i32 to index
          %get3A_442 = arith.constant 0 : index
          %get3A_443 = tpu.vector_load %arg8[%get3A_441, %get3A_442] {strides = array<i32>} : memref<200x64xf32, #tpu.memory_space<vmem>>, vector<1x16xf32>,
          %get3A_444 = vector.shape_cast %get3A_443 : vector<1x16xf32> to vector<16xf32>
          %add3A_445 = arith.addf %add3A_423, %get3A_444 : vector<16xf32>
          %get3A_446 = arith.index_cast %scan3A_440 : i32 to index
          %get3A_447 = arith.constant 16 : index
          %get3A_448 = tpu.vector_load %arg8[%get3A_446, %get3A_447] {strides = array<i32>} : memref<200x64xf32, #tpu.memory_space<vmem>>, vector<1x16xf32>,
          %get3A_449 = vector.shape_cast %get3A_448 : vector<1x16xf32> to vector<16xf32>
          %add3A_450 = arith.addf %add3A_428, %get3A_449 : vector<16xf32>
          %get3A_451 = arith.index_cast %scan3A_440 : i32 to index
          %get3A_452 = arith.constant 32 : index
          %get3A_453 = tpu.vector_load %arg8[%get3A_451, %get3A_452] {strides = array<i32>} : memref<200x64xf32, #tpu.memory_space<vmem>>, vector<1x16xf32>,
          %get3A_454 = vector.shape_cast %get3A_453 : vector<1x16xf32> to vector<16xf32>
          %add3A_455 = arith.addf %add3A_433, %get3A_454 : vector<16xf32>
          %get3A_456 = arith.index_cast %scan3A_440 : i32 to index
          %get3A_457 = arith.constant 48 : index
          %get3A_458 = tpu.vector_load %arg8[%get3A_456, %get3A_457] {strides = array<i32>} : memref<200x64xf32, #tpu.memory_space<vmem>>, vector<1x16xf32>,
          %get3A_459 = vector.shape_cast %get3A_458 : vector<1x16xf32> to vector<16xf32>
          %add3A_460 = arith.addf %add3A_438, %get3A_459 : vector<16xf32>
          %scan3A_461 = arith.constant 4 : i32
          %scan3A_462 = arith.addi %scan3A_371, %scan3A_461 : i32
          %get3A_463 = arith.index_cast %scan3A_462 : i32 to index
          %get3A_464 = arith.constant 0 : index
          %get3A_465 = tpu.vector_load %arg8[%get3A_463, %get3A_464] {strides = array<i32>} : memref<200x64xf32, #tpu.memory_space<vmem>>, vector<1x16xf32>,
          %get3A_466 = vector.shape_cast %get3A_465 : vector<1x16xf32> to vector<16xf32>
          %add3A_467 = arith.addf %add3A_445, %get3A_466 : vector<16xf32>
          %get3A_468 = arith.index_cast %scan3A_462 : i32 to index
          %get3A_469 = arith.constant 16 : index
          %get3A_470 = tpu.vector_load %arg8[%get3A_468, %get3A_469] {strides = array<i32>} : memref<200x64xf32, #tpu.memory_space<vmem>>, vector<1x16xf32>,
          %get3A_471 = vector.shape_cast %get3A_470 : vector<1x16xf32> to vector<16xf32>
          %add3A_472 = arith.addf %add3A_450, %get3A_471 : vector<16xf32>
          %get3A_473 = arith.index_cast %scan3A_462 : i32 to index
          %get3A_474 = arith.constant 32 : index
          %get3A_475 = tpu.vector_load %arg8[%get3A_473, %get3A_474] {strides = array<i32>} : memref<200x64xf32, #tpu.memory_space<vmem>>, vector<1x16xf32>,
          %get3A_476 = vector.shape_cast %get3A_475 : vector<1x16xf32> to vector<16xf32>
          %add3A_477 = arith.addf %add3A_455, %get3A_476 : vector<16xf32>
          %get3A_478 = arith.index_cast %scan3A_462 : i32 to index
          %get3A_479 = arith.constant 48 : index
          %get3A_480 = tpu.vector_load %arg8[%get3A_478, %get3A_479] {strides = array<i32>} : memref<200x64xf32, #tpu.memory_space<vmem>>, vector<1x16xf32>,
          %get3A_481 = vector.shape_cast %get3A_480 : vector<1x16xf32> to vector<16xf32>
          %add3A_482 = arith.addf %add3A_460, %get3A_481 : vector<16xf32>
          %scan3A_483 = arith.constant 5 : i32
          %scan3A_484 = arith.addi %scan3A_371, %scan3A_483 : i32
          %get3A_485 = arith.index_cast %scan3A_484 : i32 to index
          %get3A_486 = arith.constant 0 : index
          %get3A_487 = tpu.vector_load %arg8[%get3A_485, %get3A_486] {strides = array<i32>} : memref<200x64xf32, #tpu.memory_space<vmem>>, vector<1x16xf32>,
          %get3A_488 = vector.shape_cast %get3A_487 : vector<1x16xf32> to vector<16xf32>
          %add3A_489 = arith.addf %add3A_467, %get3A_488 : vector<16xf32>
          %get3A_490 = arith.index_cast %scan3A_484 : i32 to index
          %get3A_491 = arith.constant 16 : index
          %get3A_492 = tpu.vector_load %arg8[%get3A_490, %get3A_491] {strides = array<i32>} : memref<200x64xf32, #tpu.memory_space<vmem>>, vector<1x16xf32>,
          %get3A_493 = vector.shape_cast %get3A_492 : vector<1x16xf32> to vector<16xf32>
          %add3A_494 = arith.addf %add3A_472, %get3A_493 : vector<16xf32>
          %get3A_495 = arith.index_cast %scan3A_484 : i32 to index
          %get3A_496 = arith.constant 32 : index
          %get3A_497 = tpu.vector_load %arg8[%get3A_495, %get3A_496] {strides = array<i32>} : memref<200x64xf32, #tpu.memory_space<vmem>>, vector<1x16xf32>,
          %get3A_498 = vector.shape_cast %get3A_497 : vector<1x16xf32> to vector<16xf32>
          %add3A_499 = arith.addf %add3A_477, %get3A_498 : vector<16xf32>
          %get3A_500 = arith.index_cast %scan3A_484 : i32 to index
          %get3A_501 = arith.constant 48 : index
          %get3A_502 = tpu.vector_load %arg8[%get3A_500, %get3A_501] {strides = array<i32>} : memref<200x64xf32, #tpu.memory_space<vmem>>, vector<1x16xf32>,
          %get3A_503 = vector.shape_cast %get3A_502 : vector<1x16xf32> to vector<16xf32>
          %add3A_504 = arith.addf %add3A_482, %get3A_503 : vector<16xf32>
          %scan3A_505 = arith.constant 6 : i32
          %scan3A_506 = arith.addi %scan3A_371, %scan3A_505 : i32
          %get3A_507 = arith.index_cast %scan3A_506 : i32 to index
          %get3A_508 = arith.constant 0 : index
          %get3A_509 = tpu.vector_load %arg8[%get3A_507, %get3A_508] {strides = array<i32>} : memref<200x64xf32, #tpu.memory_space<vmem>>, vector<1x16xf32>,
          %get3A_510 = vector.shape_cast %get3A_509 : vector<1x16xf32> to vector<16xf32>
          %add3A_511 = arith.addf %add3A_489, %get3A_510 : vector<16xf32>
          %get3A_512 = arith.index_cast %scan3A_506 : i32 to index
          %get3A_513 = arith.constant 16 : index
          %get3A_514 = tpu.vector_load %arg8[%get3A_512, %get3A_513] {strides = array<i32>} : memref<200x64xf32, #tpu.memory_space<vmem>>, vector<1x16xf32>,
          %get3A_515 = vector.shape_cast %get3A_514 : vector<1x16xf32> to vector<16xf32>
          %add3A_516 = arith.addf %add3A_494, %get3A_515 : vector<16xf32>
          %get3A_517 = arith.index_cast %scan3A_506 : i32 to index
          %get3A_518 = arith.constant 32 : index
          %get3A_519 = tpu.vector_load %arg8[%get3A_517, %get3A_518] {strides = array<i32>} : memref<200x64xf32, #tpu.memory_space<vmem>>, vector<1x16xf32>,
          %get3A_520 = vector.shape_cast %get3A_519 : vector<1x16xf32> to vector<16xf32>
          %add3A_521 = arith.addf %add3A_499, %get3A_520 : vector<16xf32>
          %get3A_522 = arith.index_cast %scan3A_506 : i32 to index
          %get3A_523 = arith.constant 48 : index
          %get3A_524 = tpu.vector_load %arg8[%get3A_522, %get3A_523] {strides = array<i32>} : memref<200x64xf32, #tpu.memory_space<vmem>>, vector<1x16xf32>,
          %get3A_525 = vector.shape_cast %get3A_524 : vector<1x16xf32> to vector<16xf32>
          %add3A_526 = arith.addf %add3A_504, %get3A_525 : vector<16xf32>
          %scan3A_527 = arith.constant 7 : i32
          %scan3A_528 = arith.addi %scan3A_371, %scan3A_527 : i32
          %get3A_529 = arith.index_cast %scan3A_528 : i32 to index
          %get3A_530 = arith.constant 0 : index
          %get3A_531 = tpu.vector_load %arg8[%get3A_529, %get3A_530] {strides = array<i32>} : memref<200x64xf32, #tpu.memory_space<vmem>>, vector<1x16xf32>,
          %get3A_532 = vector.shape_cast %get3A_531 : vector<1x16xf32> to vector<16xf32>
          %add3A_533 = arith.addf %add3A_511, %get3A_532 : vector<16xf32>
          %get3A_534 = arith.index_cast %scan3A_528 : i32 to index
          %get3A_535 = arith.constant 16 : index
          %get3A_536 = tpu.vector_load %arg8[%get3A_534, %get3A_535] {strides = array<i32>} : memref<200x64xf32, #tpu.memory_space<vmem>>, vector<1x16xf32>,
          %get3A_537 = vector.shape_cast %get3A_536 : vector<1x16xf32> to vector<16xf32>
          %add3A_538 = arith.addf %add3A_516, %get3A_537 : vector<16xf32>
          %get3A_539 = arith.index_cast %scan3A_528 : i32 to index
          %get3A_540 = arith.constant 32 : index
          %get3A_541 = tpu.vector_load %arg8[%get3A_539, %get3A_540] {strides = array<i32>} : memref<200x64xf32, #tpu.memory_space<vmem>>, vector<1x16xf32>,
          %get3A_542 = vector.shape_cast %get3A_541 : vector<1x16xf32> to vector<16xf32>
          %add3A_543 = arith.addf %add3A_521, %get3A_542 : vector<16xf32>
          %get3A_544 = arith.index_cast %scan3A_528 : i32 to index
          %get3A_545 = arith.constant 48 : index
          %get3A_546 = tpu.vector_load %arg8[%get3A_544, %get3A_545] {strides = array<i32>} : memref<200x64xf32, #tpu.memory_space<vmem>>, vector<1x16xf32>,
          %get3A_547 = vector.shape_cast %get3A_546 : vector<1x16xf32> to vector<16xf32>
          %add3A_548 = arith.addf %add3A_526, %get3A_547 : vector<16xf32>
          scf.yield %add3A_533, %add3A_538, %add3A_543, %add3A_548 : vector<16xf32>, vector<16xf32>, vector<16xf32>, vector<16xf32>
        }
        %scan3A_262 = arith.constant 200 : i32
        %swap3A_263 = arith.index_cast %add3A_242 : i32 to index
        %swap3A_264 = arith.constant 0 : index
        %swap3A_265 = tpu.vector_load %arg10[%swap3A_263, %swap3A_264] {strides = array<i32>} : memref<128x64xf32, #tpu.memory_space<vmem>>, vector<1x16xf32>,
        %swap3A_266 = vector.shape_cast %swap3A_265 : vector<1x16xf32> to vector<16xf32>
        %swap3A_267 = vector.shape_cast %scan3A_261#0 : vector<16xf32> to vector<1x16xf32>
        tpu.vector_store %arg10[%swap3A_263, %swap3A_264], %swap3A_267 {strides = array<i32>} : memref<128x64xf32, #tpu.memory_space<vmem>>, vector<1x16xf32>,
        %swap3A_268 = arith.index_cast %add3A_242 : i32 to index
        %swap3A_269 = arith.constant 16 : index
        %swap3A_270 = tpu.vector_load %arg10[%swap3A_268, %swap3A_269] {strides = array<i32>} : memref<128x64xf32, #tpu.memory_space<vmem>>, vector<1x16xf32>,
        %swap3A_271 = vector.shape_cast %swap3A_270 : vector<1x16xf32> to vector<16xf32>
        %swap3A_272 = vector.shape_cast %scan3A_261#1 : vector<16xf32> to vector<1x16xf32>
        tpu.vector_store %arg10[%swap3A_268, %swap3A_269], %swap3A_272 {strides = array<i32>} : memref<128x64xf32, #tpu.memory_space<vmem>>, vector<1x16xf32>,
        %swap3A_273 = arith.index_cast %add3A_242 : i32 to index
        %swap3A_274 = arith.constant 32 : index
        %swap3A_275 = tpu.vector_load %arg10[%swap3A_273, %swap3A_274] {strides = array<i32>} : memref<128x64xf32, #tpu.memory_space<vmem>>, vector<1x16xf32>,
        %swap3A_276 = vector.shape_cast %swap3A_275 : vector<1x16xf32> to vector<16xf32>
        %swap3A_277 = vector.shape_cast %scan3A_261#2 : vector<16xf32> to vector<1x16xf32>
        tpu.vector_store %arg10[%swap3A_273, %swap3A_274], %swap3A_277 {strides = array<i32>} : memref<128x64xf32, #tpu.memory_space<vmem>>, vector<1x16xf32>,
        %swap3A_278 = arith.index_cast %add3A_242 : i32 to index
        %swap3A_279 = arith.constant 48 : index
        %swap3A_280 = tpu.vector_load %arg10[%swap3A_278, %swap3A_279] {strides = array<i32>} : memref<128x64xf32, #tpu.memory_space<vmem>>, vector<1x16xf32>,
        %swap3A_281 = vector.shape_cast %swap3A_280 : vector<1x16xf32> to vector<16xf32>
        %swap3A_282 = vector.shape_cast %scan3A_261#3 : vector<16xf32> to vector<1x16xf32>
        tpu.vector_store %arg10[%swap3A_278, %swap3A_279], %swap3A_282 {strides = array<i32>} : memref<128x64xf32, #tpu.memory_space<vmem>>, vector<1x16xf32>,
        %add3A_283 = arith.constant 4 : i32
        %add3A_284 = arith.addi %add3A_242, %add3A_283 : i32
        %min3A_285 = arith.constant 127 : i32
        %min3A_286 = arith.minsi %add3A_284, %min3A_285 : i32
        %mul3A_287 = arith.constant 200 : i32
        %mul3A_288 = arith.muli %min3A_286, %mul3A_287 : i32
        %dma_start3A_289 = arith.constant 0 : i32
        %dma_start3A_290 = arith.constant 0 : i32
        %dma_start3A_291 = tpu.memref_slice %arg8[%dma_start3A_289, %dma_start3A_290] : memref<200x64xf32, #tpu.memory_space<vmem>> -> memref<128x64xf32, #tpu.memory_space<vmem>>
        %dma_start3A_292 = tpu.memref_slice %arg5[%mul3A_288] : memref<25600xi32, #tpu.memory_space<vmem>> -> memref<128xi32, #tpu.memory_space<vmem>>
        %dma_start3A_293 = arith.constant 0 : i32
        %dma_start3A_294 = arith.constant 0 : i32
        %dma_start3A_295 = tpu.memref_slice %arg3[%dma_start3A_293, %dma_start3A_294] : memref<1000000x64xf32, #tpu.memory_space<hbm>> -> memref<1000000x64xf32, #tpu.memory_space<hbm>>
        tpu.enqueue_indirect_dma source(%dma_start3A_295 : memref<1000000x64xf32, #tpu.memory_space<hbm>>) target(%dma_start3A_291 : memref<128x64xf32, #tpu.memory_space<vmem>>) offsets(%dma_start3A_292 : memref<128xi32, #tpu.memory_space<vmem>>) semaphore(%arg13 : memref<!tpu.dma_semaphore, #tpu.memory_space<semaphore_mem>>)
        %add3A_296 = arith.constant 128 : i32
        %add3A_297 = arith.addi %mul3A_288, %add3A_296 : i32
        %dma_start3A_298 = arith.constant 128 : i32
        %dma_start3A_299 = arith.constant 0 : i32
        %dma_start3A_300 = tpu.memref_slice %arg8[%dma_start3A_298, %dma_start3A_299] : memref<200x64xf32, #tpu.memory_space<vmem>> -> memref<72x64xf32, #tpu.memory_space<vmem>>
        %dma_start3A_301 = tpu.memref_slice %arg5[%add3A_297] : memref<25600xi32, #tpu.memory_space<vmem>> -> memref<72xi32, #tpu.memory_space<vmem>>
        %dma_start3A_302 = arith.constant 0 : i32
        %dma_start3A_303 = arith.constant 0 : i32
        %dma_start3A_304 = tpu.memref_slice %arg3[%dma_start3A_302, %dma_start3A_303] : memref<1000000x64xf32, #tpu.memory_space<hbm>> -> memref<1000000x64xf32, #tpu.memory_space<hbm>>
        tpu.enqueue_indirect_dma source(%dma_start3A_304 : memref<1000000x64xf32, #tpu.memory_space<hbm>>) target(%dma_start3A_300 : memref<72x64xf32, #tpu.memory_space<vmem>>) offsets(%dma_start3A_301 : memref<72xi32, #tpu.memory_space<vmem>>) semaphore(%arg13 : memref<!tpu.dma_semaphore, #tpu.memory_space<semaphore_mem>>)
        %mul3A_305 = arith.constant 4 : i32
        %mul3A_306 = arith.muli %mul3A_305, %scan3A_109 : i32
        %add3A_307 = arith.constant 3 : i32
        %add3A_308 = arith.addi %mul3A_306, %add3A_307 : i32
        %dma_wait3A_309 = arith.constant 0 : i32
        %dma_wait3A_310 = arith.constant 0 : i32
        %dma_wait3A_311 = tpu.memref_slice %arg3[%dma_wait3A_309, %dma_wait3A_310] : memref<1000000x64xf32, #tpu.memory_space<hbm>> -> memref<200x64xf32, #tpu.memory_space<hbm>>
        %dma_wait3A_312 = arith.constant 0 : i32
        %dma_wait3A_313 = arith.constant 0 : i32
        %dma_wait3A_314 = tpu.memref_slice %arg3[%dma_wait3A_312, %dma_wait3A_313] : memref<1000000x64xf32, #tpu.memory_space<hbm>> -> memref<200x64xf32, #tpu.memory_space<hbm>>
        tpu.wait_dma2 semaphore(%arg14 : memref<!tpu.dma_semaphore, #tpu.memory_space<semaphore_mem>>) src(%dma_wait3A_314 : memref<200x64xf32, #tpu.memory_space<hbm>>) dst(%arg9 : memref<200x64xf32, #tpu.memory_space<vmem>>)
        %broadcast_in_dim3A_315 = arith.constant 0.000000e+00 : f32
        %broadcast_in_dim3A_316 = vector.broadcast %broadcast_in_dim3A_315 : f32 to vector<16xf32>
        %broadcast_in_dim3A_317 = arith.constant 0.000000e+00 : f32
        %broadcast_in_dim3A_318 = vector.broadcast %broadcast_in_dim3A_317 : f32 to vector<16xf32>
        %broadcast_in_dim3A_319 = arith.constant 0.000000e+00 : f32
        %broadcast_in_dim3A_320 = vector.broadcast %broadcast_in_dim3A_319 : f32 to vector<16xf32>
        %broadcast_in_dim3A_321 = arith.constant 0.000000e+00 : f32
        %broadcast_in_dim3A_322 = vector.broadcast %broadcast_in_dim3A_321 : f32 to vector<16xf32>
        %scan3A_323 = arith.constant 0 : i32
        %scan3A_324 = arith.constant 200 : i32
        %scan3A_325 = arith.addi %scan3A_323, %scan3A_324 : i32
        %scan3A_326 = arith.constant 8 : i32
        %scan3A_327:4 = scf.for %scan3A_371 = %scan3A_323 to %scan3A_325 step %scan3A_326 iter_args(%scan3A_372 = %broadcast_in_dim3A_316, %scan3A_373 = %broadcast_in_dim3A_318, %scan3A_374 = %broadcast_in_dim3A_320, %scan3A_375 = %broadcast_in_dim3A_322) -> (vector<16xf32>, vector<16xf32>, vector<16xf32>, vector<16xf32>)  : i32 {
          %get3A = arith.index_cast %scan3A_371 : i32 to index
          %get3A_376 = arith.constant 0 : index
          %get3A_377 = tpu.vector_load %arg9[%get3A, %get3A_376] {strides = array<i32>} : memref<200x64xf32, #tpu.memory_space<vmem>>, vector<1x16xf32>,
          %get3A_378 = vector.shape_cast %get3A_377 : vector<1x16xf32> to vector<16xf32>
          %add3A_379 = arith.addf %scan3A_372, %get3A_378 : vector<16xf32>
          %get3A_380 = arith.index_cast %scan3A_371 : i32 to index
          %get3A_381 = arith.constant 16 : index
          %get3A_382 = tpu.vector_load %arg9[%get3A_380, %get3A_381] {strides = array<i32>} : memref<200x64xf32, #tpu.memory_space<vmem>>, vector<1x16xf32>,
          %get3A_383 = vector.shape_cast %get3A_382 : vector<1x16xf32> to vector<16xf32>
          %add3A_384 = arith.addf %scan3A_373, %get3A_383 : vector<16xf32>
          %get3A_385 = arith.index_cast %scan3A_371 : i32 to index
          %get3A_386 = arith.constant 32 : index
          %get3A_387 = tpu.vector_load %arg9[%get3A_385, %get3A_386] {strides = array<i32>} : memref<200x64xf32, #tpu.memory_space<vmem>>, vector<1x16xf32>,
          %get3A_388 = vector.shape_cast %get3A_387 : vector<1x16xf32> to vector<16xf32>
          %add3A_389 = arith.addf %scan3A_374, %get3A_388 : vector<16xf32>
          %get3A_390 = arith.index_cast %scan3A_371 : i32 to index
          %get3A_391 = arith.constant 48 : index
          %get3A_392 = tpu.vector_load %arg9[%get3A_390, %get3A_391] {strides = array<i32>} : memref<200x64xf32, #tpu.memory_space<vmem>>, vector<1x16xf32>,
          %get3A_393 = vector.shape_cast %get3A_392 : vector<1x16xf32> to vector<16xf32>
          %add3A_394 = arith.addf %scan3A_375, %get3A_393 : vector<16xf32>
          %scan3A_395 = arith.constant 1 : i32
          %scan3A_396 = arith.addi %scan3A_371, %scan3A_395 : i32
          %get3A_397 = arith.index_cast %scan3A_396 : i32 to index
          %get3A_398 = arith.constant 0 : index
          %get3A_399 = tpu.vector_load %arg9[%get3A_397, %get3A_398] {strides = array<i32>} : memref<200x64xf32, #tpu.memory_space<vmem>>, vector<1x16xf32>,
          %get3A_400 = vector.shape_cast %get3A_399 : vector<1x16xf32> to vector<16xf32>
          %add3A_401 = arith.addf %add3A_379, %get3A_400 : vector<16xf32>
          %get3A_402 = arith.index_cast %scan3A_396 : i32 to index
          %get3A_403 = arith.constant 16 : index
          %get3A_404 = tpu.vector_load %arg9[%get3A_402, %get3A_403] {strides = array<i32>} : memref<200x64xf32, #tpu.memory_space<vmem>>, vector<1x16xf32>,
          %get3A_405 = vector.shape_cast %get3A_404 : vector<1x16xf32> to vector<16xf32>
          %add3A_406 = arith.addf %add3A_384, %get3A_405 : vector<16xf32>
          %get3A_407 = arith.index_cast %scan3A_396 : i32 to index
          %get3A_408 = arith.constant 32 : index
          %get3A_409 = tpu.vector_load %arg9[%get3A_407, %get3A_408] {strides = array<i32>} : memref<200x64xf32, #tpu.memory_space<vmem>>, vector<1x16xf32>,
          %get3A_410 = vector.shape_cast %get3A_409 : vector<1x16xf32> to vector<16xf32>
          %add3A_411 = arith.addf %add3A_389, %get3A_410 : vector<16xf32>
          %get3A_412 = arith.index_cast %scan3A_396 : i32 to index
          %get3A_413 = arith.constant 48 : index
          %get3A_414 = tpu.vector_load %arg9[%get3A_412, %get3A_413] {strides = array<i32>} : memref<200x64xf32, #tpu.memory_space<vmem>>, vector<1x16xf32>,
          %get3A_415 = vector.shape_cast %get3A_414 : vector<1x16xf32> to vector<16xf32>
          %add3A_416 = arith.addf %add3A_394, %get3A_415 : vector<16xf32>
          %scan3A_417 = arith.constant 2 : i32
          %scan3A_418 = arith.addi %scan3A_371, %scan3A_417 : i32
          %get3A_419 = arith.index_cast %scan3A_418 : i32 to index
          %get3A_420 = arith.constant 0 : index
          %get3A_421 = tpu.vector_load %arg9[%get3A_419, %get3A_420] {strides = array<i32>} : memref<200x64xf32, #tpu.memory_space<vmem>>, vector<1x16xf32>,
          %get3A_422 = vector.shape_cast %get3A_421 : vector<1x16xf32> to vector<16xf32>
          %add3A_423 = arith.addf %add3A_401, %get3A_422 : vector<16xf32>
          %get3A_424 = arith.index_cast %scan3A_418 : i32 to index
          %get3A_425 = arith.constant 16 : index
          %get3A_426 = tpu.vector_load %arg9[%get3A_424, %get3A_425] {strides = array<i32>} : memref<200x64xf32, #tpu.memory_space<vmem>>, vector<1x16xf32>,
          %get3A_427 = vector.shape_cast %get3A_426 : vector<1x16xf32> to vector<16xf32>
          %add3A_428 = arith.addf %add3A_406, %get3A_427 : vector<16xf32>
          %get3A_429 = arith.index_cast %scan3A_418 : i32 to index
          %get3A_430 = arith.constant 32 : index
          %get3A_431 = tpu.vector_load %arg9[%get3A_429, %get3A_430] {strides = array<i32>} : memref<200x64xf32, #tpu.memory_space<vmem>>, vector<1x16xf32>,
          %get3A_432 = vector.shape_cast %get3A_431 : vector<1x16xf32> to vector<16xf32>
          %add3A_433 = arith.addf %add3A_411, %get3A_432 : vector<16xf32>
          %get3A_434 = arith.index_cast %scan3A_418 : i32 to index
          %get3A_435 = arith.constant 48 : index
          %get3A_436 = tpu.vector_load %arg9[%get3A_434, %get3A_435] {strides = array<i32>} : memref<200x64xf32, #tpu.memory_space<vmem>>, vector<1x16xf32>,
          %get3A_437 = vector.shape_cast %get3A_436 : vector<1x16xf32> to vector<16xf32>
          %add3A_438 = arith.addf %add3A_416, %get3A_437 : vector<16xf32>
          %scan3A_439 = arith.constant 3 : i32
          %scan3A_440 = arith.addi %scan3A_371, %scan3A_439 : i32
          %get3A_441 = arith.index_cast %scan3A_440 : i32 to index
          %get3A_442 = arith.constant 0 : index
          %get3A_443 = tpu.vector_load %arg9[%get3A_441, %get3A_442] {strides = array<i32>} : memref<200x64xf32, #tpu.memory_space<vmem>>, vector<1x16xf32>,
          %get3A_444 = vector.shape_cast %get3A_443 : vector<1x16xf32> to vector<16xf32>
          %add3A_445 = arith.addf %add3A_423, %get3A_444 : vector<16xf32>
          %get3A_446 = arith.index_cast %scan3A_440 : i32 to index
          %get3A_447 = arith.constant 16 : index
          %get3A_448 = tpu.vector_load %arg9[%get3A_446, %get3A_447] {strides = array<i32>} : memref<200x64xf32, #tpu.memory_space<vmem>>, vector<1x16xf32>,
          %get3A_449 = vector.shape_cast %get3A_448 : vector<1x16xf32> to vector<16xf32>
          %add3A_450 = arith.addf %add3A_428, %get3A_449 : vector<16xf32>
          %get3A_451 = arith.index_cast %scan3A_440 : i32 to index
          %get3A_452 = arith.constant 32 : index
          %get3A_453 = tpu.vector_load %arg9[%get3A_451, %get3A_452] {strides = array<i32>} : memref<200x64xf32, #tpu.memory_space<vmem>>, vector<1x16xf32>,
          %get3A_454 = vector.shape_cast %get3A_453 : vector<1x16xf32> to vector<16xf32>
          %add3A_455 = arith.addf %add3A_433, %get3A_454 : vector<16xf32>
          %get3A_456 = arith.index_cast %scan3A_440 : i32 to index
          %get3A_457 = arith.constant 48 : index
          %get3A_458 = tpu.vector_load %arg9[%get3A_456, %get3A_457] {strides = array<i32>} : memref<200x64xf32, #tpu.memory_space<vmem>>, vector<1x16xf32>,
          %get3A_459 = vector.shape_cast %get3A_458 : vector<1x16xf32> to vector<16xf32>
          %add3A_460 = arith.addf %add3A_438, %get3A_459 : vector<16xf32>
          %scan3A_461 = arith.constant 4 : i32
          %scan3A_462 = arith.addi %scan3A_371, %scan3A_461 : i32
          %get3A_463 = arith.index_cast %scan3A_462 : i32 to index
          %get3A_464 = arith.constant 0 : index
          %get3A_465 = tpu.vector_load %arg9[%get3A_463, %get3A_464] {strides = array<i32>} : memref<200x64xf32, #tpu.memory_space<vmem>>, vector<1x16xf32>,
          %get3A_466 = vector.shape_cast %get3A_465 : vector<1x16xf32> to vector<16xf32>
          %add3A_467 = arith.addf %add3A_445, %get3A_466 : vector<16xf32>
          %get3A_468 = arith.index_cast %scan3A_462 : i32 to index
          %get3A_469 = arith.constant 16 : index
          %get3A_470 = tpu.vector_load %arg9[%get3A_468, %get3A_469] {strides = array<i32>} : memref<200x64xf32, #tpu.memory_space<vmem>>, vector<1x16xf32>,
          %get3A_471 = vector.shape_cast %get3A_470 : vector<1x16xf32> to vector<16xf32>
          %add3A_472 = arith.addf %add3A_450, %get3A_471 : vector<16xf32>
          %get3A_473 = arith.index_cast %scan3A_462 : i32 to index
          %get3A_474 = arith.constant 32 : index
          %get3A_475 = tpu.vector_load %arg9[%get3A_473, %get3A_474] {strides = array<i32>} : memref<200x64xf32, #tpu.memory_space<vmem>>, vector<1x16xf32>,
          %get3A_476 = vector.shape_cast %get3A_475 : vector<1x16xf32> to vector<16xf32>
          %add3A_477 = arith.addf %add3A_455, %get3A_476 : vector<16xf32>
          %get3A_478 = arith.index_cast %scan3A_462 : i32 to index
          %get3A_479 = arith.constant 48 : index
          %get3A_480 = tpu.vector_load %arg9[%get3A_478, %get3A_479] {strides = array<i32>} : memref<200x64xf32, #tpu.memory_space<vmem>>, vector<1x16xf32>,
          %get3A_481 = vector.shape_cast %get3A_480 : vector<1x16xf32> to vector<16xf32>
          %add3A_482 = arith.addf %add3A_460, %get3A_481 : vector<16xf32>
          %scan3A_483 = arith.constant 5 : i32
          %scan3A_484 = arith.addi %scan3A_371, %scan3A_483 : i32
          %get3A_485 = arith.index_cast %scan3A_484 : i32 to index
          %get3A_486 = arith.constant 0 : index
          %get3A_487 = tpu.vector_load %arg9[%get3A_485, %get3A_486] {strides = array<i32>} : memref<200x64xf32, #tpu.memory_space<vmem>>, vector<1x16xf32>,
          %get3A_488 = vector.shape_cast %get3A_487 : vector<1x16xf32> to vector<16xf32>
          %add3A_489 = arith.addf %add3A_467, %get3A_488 : vector<16xf32>
          %get3A_490 = arith.index_cast %scan3A_484 : i32 to index
          %get3A_491 = arith.constant 16 : index
          %get3A_492 = tpu.vector_load %arg9[%get3A_490, %get3A_491] {strides = array<i32>} : memref<200x64xf32, #tpu.memory_space<vmem>>, vector<1x16xf32>,
          %get3A_493 = vector.shape_cast %get3A_492 : vector<1x16xf32> to vector<16xf32>
          %add3A_494 = arith.addf %add3A_472, %get3A_493 : vector<16xf32>
          %get3A_495 = arith.index_cast %scan3A_484 : i32 to index
          %get3A_496 = arith.constant 32 : index
          %get3A_497 = tpu.vector_load %arg9[%get3A_495, %get3A_496] {strides = array<i32>} : memref<200x64xf32, #tpu.memory_space<vmem>>, vector<1x16xf32>,
          %get3A_498 = vector.shape_cast %get3A_497 : vector<1x16xf32> to vector<16xf32>
          %add3A_499 = arith.addf %add3A_477, %get3A_498 : vector<16xf32>
          %get3A_500 = arith.index_cast %scan3A_484 : i32 to index
          %get3A_501 = arith.constant 48 : index
          %get3A_502 = tpu.vector_load %arg9[%get3A_500, %get3A_501] {strides = array<i32>} : memref<200x64xf32, #tpu.memory_space<vmem>>, vector<1x16xf32>,
          %get3A_503 = vector.shape_cast %get3A_502 : vector<1x16xf32> to vector<16xf32>
          %add3A_504 = arith.addf %add3A_482, %get3A_503 : vector<16xf32>
          %scan3A_505 = arith.constant 6 : i32
          %scan3A_506 = arith.addi %scan3A_371, %scan3A_505 : i32
          %get3A_507 = arith.index_cast %scan3A_506 : i32 to index
          %get3A_508 = arith.constant 0 : index
          %get3A_509 = tpu.vector_load %arg9[%get3A_507, %get3A_508] {strides = array<i32>} : memref<200x64xf32, #tpu.memory_space<vmem>>, vector<1x16xf32>,
          %get3A_510 = vector.shape_cast %get3A_509 : vector<1x16xf32> to vector<16xf32>
          %add3A_511 = arith.addf %add3A_489, %get3A_510 : vector<16xf32>
          %get3A_512 = arith.index_cast %scan3A_506 : i32 to index
          %get3A_513 = arith.constant 16 : index
          %get3A_514 = tpu.vector_load %arg9[%get3A_512, %get3A_513] {strides = array<i32>} : memref<200x64xf32, #tpu.memory_space<vmem>>, vector<1x16xf32>,
          %get3A_515 = vector.shape_cast %get3A_514 : vector<1x16xf32> to vector<16xf32>
          %add3A_516 = arith.addf %add3A_494, %get3A_515 : vector<16xf32>
          %get3A_517 = arith.index_cast %scan3A_506 : i32 to index
          %get3A_518 = arith.constant 32 : index
          %get3A_519 = tpu.vector_load %arg9[%get3A_517, %get3A_518] {strides = array<i32>} : memref<200x64xf32, #tpu.memory_space<vmem>>, vector<1x16xf32>,
          %get3A_520 = vector.shape_cast %get3A_519 : vector<1x16xf32> to vector<16xf32>
          %add3A_521 = arith.addf %add3A_499, %get3A_520 : vector<16xf32>
          %get3A_522 = arith.index_cast %scan3A_506 : i32 to index
          %get3A_523 = arith.constant 48 : index
          %get3A_524 = tpu.vector_load %arg9[%get3A_522, %get3A_523] {strides = array<i32>} : memref<200x64xf32, #tpu.memory_space<vmem>>, vector<1x16xf32>,
          %get3A_525 = vector.shape_cast %get3A_524 : vector<1x16xf32> to vector<16xf32>
          %add3A_526 = arith.addf %add3A_504, %get3A_525 : vector<16xf32>
          %scan3A_527 = arith.constant 7 : i32
          %scan3A_528 = arith.addi %scan3A_371, %scan3A_527 : i32
          %get3A_529 = arith.index_cast %scan3A_528 : i32 to index
          %get3A_530 = arith.constant 0 : index
          %get3A_531 = tpu.vector_load %arg9[%get3A_529, %get3A_530] {strides = array<i32>} : memref<200x64xf32, #tpu.memory_space<vmem>>, vector<1x16xf32>,
          %get3A_532 = vector.shape_cast %get3A_531 : vector<1x16xf32> to vector<16xf32>
          %add3A_533 = arith.addf %add3A_511, %get3A_532 : vector<16xf32>
          %get3A_534 = arith.index_cast %scan3A_528 : i32 to index
          %get3A_535 = arith.constant 16 : index
          %get3A_536 = tpu.vector_load %arg9[%get3A_534, %get3A_535] {strides = array<i32>} : memref<200x64xf32, #tpu.memory_space<vmem>>, vector<1x16xf32>,
          %get3A_537 = vector.shape_cast %get3A_536 : vector<1x16xf32> to vector<16xf32>
          %add3A_538 = arith.addf %add3A_516, %get3A_537 : vector<16xf32>
          %get3A_539 = arith.index_cast %scan3A_528 : i32 to index
          %get3A_540 = arith.constant 32 : index
          %get3A_541 = tpu.vector_load %arg9[%get3A_539, %get3A_540] {strides = array<i32>} : memref<200x64xf32, #tpu.memory_space<vmem>>, vector<1x16xf32>,
          %get3A_542 = vector.shape_cast %get3A_541 : vector<1x16xf32> to vector<16xf32>
          %add3A_543 = arith.addf %add3A_521, %get3A_542 : vector<16xf32>
          %get3A_544 = arith.index_cast %scan3A_528 : i32 to index
          %get3A_545 = arith.constant 48 : index
          %get3A_546 = tpu.vector_load %arg9[%get3A_544, %get3A_545] {strides = array<i32>} : memref<200x64xf32, #tpu.memory_space<vmem>>, vector<1x16xf32>,
          %get3A_547 = vector.shape_cast %get3A_546 : vector<1x16xf32> to vector<16xf32>
          %add3A_548 = arith.addf %add3A_526, %get3A_547 : vector<16xf32>
          scf.yield %add3A_533, %add3A_538, %add3A_543, %add3A_548 : vector<16xf32>, vector<16xf32>, vector<16xf32>, vector<16xf32>
        }
        %scan3A_328 = arith.constant 200 : i32
        %swap3A_329 = arith.index_cast %add3A_308 : i32 to index
        %swap3A_330 = arith.constant 0 : index
        %swap3A_331 = tpu.vector_load %arg10[%swap3A_329, %swap3A_330] {strides = array<i32>} : memref<128x64xf32, #tpu.memory_space<vmem>>, vector<1x16xf32>,
        %swap3A_332 = vector.shape_cast %swap3A_331 : vector<1x16xf32> to vector<16xf32>
        %swap3A_333 = vector.shape_cast %scan3A_327#0 : vector<16xf32> to vector<1x16xf32>
        tpu.vector_store %arg10[%swap3A_329, %swap3A_330], %swap3A_333 {strides = array<i32>} : memref<128x64xf32, #tpu.memory_space<vmem>>, vector<1x16xf32>,
        %swap3A_334 = arith.index_cast %add3A_308 : i32 to index
        %swap3A_335 = arith.constant 16 : index
        %swap3A_336 = tpu.vector_load %arg10[%swap3A_334, %swap3A_335] {strides = array<i32>} : memref<128x64xf32, #tpu.memory_space<vmem>>, vector<1x16xf32>,
        %swap3A_337 = vector.shape_cast %swap3A_336 : vector<1x16xf32> to vector<16xf32>
        %swap3A_338 = vector.shape_cast %scan3A_327#1 : vector<16xf32> to vector<1x16xf32>
        tpu.vector_store %arg10[%swap3A_334, %swap3A_335], %swap3A_338 {strides = array<i32>} : memref<128x64xf32, #tpu.memory_space<vmem>>, vector<1x16xf32>,
        %swap3A_339 = arith.index_cast %add3A_308 : i32 to index
        %swap3A_340 = arith.constant 32 : index
        %swap3A_341 = tpu.vector_load %arg10[%swap3A_339, %swap3A_340] {strides = array<i32>} : memref<128x64xf32, #tpu.memory_space<vmem>>, vector<1x16xf32>,
        %swap3A_342 = vector.shape_cast %swap3A_341 : vector<1x16xf32> to vector<16xf32>
        %swap3A_343 = vector.shape_cast %scan3A_327#2 : vector<16xf32> to vector<1x16xf32>
        tpu.vector_store %arg10[%swap3A_339, %swap3A_340], %swap3A_343 {strides = array<i32>} : memref<128x64xf32, #tpu.memory_space<vmem>>, vector<1x16xf32>,
        %swap3A_344 = arith.index_cast %add3A_308 : i32 to index
        %swap3A_345 = arith.constant 48 : index
        %swap3A_346 = tpu.vector_load %arg10[%swap3A_344, %swap3A_345] {strides = array<i32>} : memref<128x64xf32, #tpu.memory_space<vmem>>, vector<1x16xf32>,
        %swap3A_347 = vector.shape_cast %swap3A_346 : vector<1x16xf32> to vector<16xf32>
        %swap3A_348 = vector.shape_cast %scan3A_327#3 : vector<16xf32> to vector<1x16xf32>
        tpu.vector_store %arg10[%swap3A_344, %swap3A_345], %swap3A_348 {strides = array<i32>} : memref<128x64xf32, #tpu.memory_space<vmem>>, vector<1x16xf32>,
        %add3A_349 = arith.constant 4 : i32
        %add3A_350 = arith.addi %add3A_308, %add3A_349 : i32
        %min3A_351 = arith.constant 127 : i32
        %min3A_352 = arith.minsi %add3A_350, %min3A_351 : i32
        %mul3A_353 = arith.constant 200 : i32
        %mul3A_354 = arith.muli %min3A_352, %mul3A_353 : i32
        %dma_start3A_355 = arith.constant 0 : i32
        %dma_start3A_356 = arith.constant 0 : i32
        %dma_start3A_357 = tpu.memref_slice %arg9[%dma_start3A_355, %dma_start3A_356] : memref<200x64xf32, #tpu.memory_space<vmem>> -> memref<128x64xf32, #tpu.memory_space<vmem>>
        %dma_start3A_358 = tpu.memref_slice %arg5[%mul3A_354] : memref<25600xi32, #tpu.memory_space<vmem>> -> memref<128xi32, #tpu.memory_space<vmem>>
        %dma_start3A_359 = arith.constant 0 : i32
        %dma_start3A_360 = arith.constant 0 : i32
        %dma_start3A_361 = tpu.memref_slice %arg3[%dma_start3A_359, %dma_start3A_360] : memref<1000000x64xf32, #tpu.memory_space<hbm>> -> memref<1000000x64xf32, #tpu.memory_space<hbm>>
        tpu.enqueue_indirect_dma source(%dma_start3A_361 : memref<1000000x64xf32, #tpu.memory_space<hbm>>) target(%dma_start3A_357 : memref<128x64xf32, #tpu.memory_space<vmem>>) offsets(%dma_start3A_358 : memref<128xi32, #tpu.memory_space<vmem>>) semaphore(%arg14 : memref<!tpu.dma_semaphore, #tpu.memory_space<semaphore_mem>>)
        %add3A_362 = arith.constant 128 : i32
        %add3A_363 = arith.addi %mul3A_354, %add3A_362 : i32
        %dma_start3A_364 = arith.constant 128 : i32
        %dma_start3A_365 = arith.constant 0 : i32
        %dma_start3A_366 = tpu.memref_slice %arg9[%dma_start3A_364, %dma_start3A_365] : memref<200x64xf32, #tpu.memory_space<vmem>> -> memref<72x64xf32, #tpu.memory_space<vmem>>
        %dma_start3A_367 = tpu.memref_slice %arg5[%add3A_363] : memref<25600xi32, #tpu.memory_space<vmem>> -> memref<72xi32, #tpu.memory_space<vmem>>
        %dma_start3A_368 = arith.constant 0 : i32
        %dma_start3A_369 = arith.constant 0 : i32
        %dma_start3A_370 = tpu.memref_slice %arg3[%dma_start3A_368, %dma_start3A_369] : memref<1000000x64xf32, #tpu.memory_space<hbm>> -> memref<1000000x64xf32, #tpu.memory_space<hbm>>
        tpu.enqueue_indirect_dma source(%dma_start3A_370 : memref<1000000x64xf32, #tpu.memory_space<hbm>>) target(%dma_start3A_366 : memref<72x64xf32, #tpu.memory_space<vmem>>) offsets(%dma_start3A_367 : memref<72xi32, #tpu.memory_space<vmem>>) semaphore(%arg14 : memref<!tpu.dma_semaphore, #tpu.memory_space<semaphore_mem>>)
      }
      %scan3A_82 = arith.constant 32 : i32
      %dma_wait3A = arith.constant 0 : i32
      %dma_wait3A_83 = arith.constant 0 : i32
      %dma_wait3A_84 = tpu.memref_slice %arg3[%dma_wait3A, %dma_wait3A_83] : memref<1000000x64xf32, #tpu.memory_space<hbm>> -> memref<200x64xf32, #tpu.memory_space<hbm>>
      %dma_wait3A_85 = arith.constant 0 : i32
      %dma_wait3A_86 = arith.constant 0 : i32
      %dma_wait3A_87 = tpu.memref_slice %arg3[%dma_wait3A_85, %dma_wait3A_86] : memref<1000000x64xf32, #tpu.memory_space<hbm>> -> memref<200x64xf32, #tpu.memory_space<hbm>>
      tpu.wait_dma2 semaphore(%arg11 : memref<!tpu.dma_semaphore, #tpu.memory_space<semaphore_mem>>) src(%dma_wait3A_87 : memref<200x64xf32, #tpu.memory_space<hbm>>) dst(%arg6 : memref<200x64xf32, #tpu.memory_space<vmem>>)
      %dma_wait3A_88 = arith.constant 0 : i32
      %dma_wait3A_89 = arith.constant 0 : i32
      %dma_wait3A_90 = tpu.memref_slice %arg3[%dma_wait3A_88, %dma_wait3A_89] : memref<1000000x64xf32, #tpu.memory_space<hbm>> -> memref<200x64xf32, #tpu.memory_space<hbm>>
      %dma_wait3A_91 = arith.constant 0 : i32
      %dma_wait3A_92 = arith.constant 0 : i32
      %dma_wait3A_93 = tpu.memref_slice %arg3[%dma_wait3A_91, %dma_wait3A_92] : memref<1000000x64xf32, #tpu.memory_space<hbm>> -> memref<200x64xf32, #tpu.memory_space<hbm>>
      tpu.wait_dma2 semaphore(%arg12 : memref<!tpu.dma_semaphore, #tpu.memory_space<semaphore_mem>>) src(%dma_wait3A_93 : memref<200x64xf32, #tpu.memory_space<hbm>>) dst(%arg7 : memref<200x64xf32, #tpu.memory_space<vmem>>)
      %dma_wait3A_94 = arith.constant 0 : i32
      %dma_wait3A_95 = arith.constant 0 : i32
      %dma_wait3A_96 = tpu.memref_slice %arg3[%dma_wait3A_94, %dma_wait3A_95] : memref<1000000x64xf32, #tpu.memory_space<hbm>> -> memref<200x64xf32, #tpu.memory_space<hbm>>
      %dma_wait3A_97 = arith.constant 0 : i32
      %dma_wait3A_98 = arith.constant 0 : i32
      %dma_wait3A_99 = tpu.memref_slice %arg3[%dma_wait3A_97, %dma_wait3A_98] : memref<1000000x64xf32, #tpu.memory_space<hbm>> -> memref<200x64xf32, #tpu.memory_space<hbm>>
      tpu.wait_dma2 semaphore(%arg13 : memref<!tpu.dma_semaphore, #tpu.memory_space<semaphore_mem>>) src(%dma_wait3A_99 : memref<200x64xf32, #tpu.memory_space<hbm>>) dst(%arg8 : memref<200x64xf32, #tpu.memory_space<vmem>>)
      %dma_wait3A_100 = arith.constant 0 : i32
      %dma_wait3A_101 = arith.constant 0 : i32
      %dma_wait3A_102 = tpu.memref_slice %arg3[%dma_wait3A_100, %dma_wait3A_101] : memref<1000000x64xf32, #tpu.memory_space<hbm>> -> memref<200x64xf32, #tpu.memory_space<hbm>>
      %dma_wait3A_103 = arith.constant 0 : i32
      %dma_wait3A_104 = arith.constant 0 : i32
      %dma_wait3A_105 = tpu.memref_slice %arg3[%dma_wait3A_103, %dma_wait3A_104] : memref<1000000x64xf32, #tpu.memory_space<hbm>> -> memref<200x64xf32, #tpu.memory_space<hbm>>
      tpu.wait_dma2 semaphore(%arg14 : memref<!tpu.dma_semaphore, #tpu.memory_space<semaphore_mem>>) src(%dma_wait3A_105 : memref<200x64xf32, #tpu.memory_space<hbm>>) dst(%arg9 : memref<200x64xf32, #tpu.memory_space<vmem>>)
      %mul3A_106 = arith.constant 128 : i32
      %mul3A_107 = arith.muli %scan3A_8, %mul3A_106 : i32
      %add3A_108 = arith.addi %mul3A_2, %mul3A_107 : i32
      "tpu.region"() ({
        %run_scoped3A = tpu.sem_alloc : memref<!tpu.dma_semaphore, #tpu.memory_space<semaphore_mem>>
        %dma_start3A_109 = arith.constant 0 : i32
        %dma_start3A_110 = tpu.memref_slice %arg4[%add3A_108, %dma_start3A_109] : memref<16384x64xf32, #tpu.memory_space<hbm>> -> memref<128x64xf32, #tpu.memory_space<hbm>>
        %dma_start3A_111 = arith.constant 0 : i32
        %dma_start3A_112 = tpu.memref_slice %arg4[%add3A_108, %dma_start3A_111] : memref<16384x64xf32, #tpu.memory_space<hbm>> -> memref<128x64xf32, #tpu.memory_space<hbm>>
        tpu.enqueue_dma source(%arg10 : memref<128x64xf32, #tpu.memory_space<vmem>>) target(%dma_start3A_112 : memref<128x64xf32, #tpu.memory_space<hbm>>) target_semaphore(%run_scoped3A : memref<!tpu.dma_semaphore, #tpu.memory_space<semaphore_mem>>)
        %dma_wait3A_113 = arith.constant 0 : i32
        %dma_wait3A_114 = tpu.memref_slice %arg4[%add3A_108, %dma_wait3A_113] : memref<16384x64xf32, #tpu.memory_space<hbm>> -> memref<128x64xf32, #tpu.memory_space<hbm>>
        %dma_wait3A_115 = arith.constant 0 : i32
        %dma_wait3A_116 = tpu.memref_slice %arg4[%add3A_108, %dma_wait3A_115] : memref<16384x64xf32, #tpu.memory_space<hbm>> -> memref<128x64xf32, #tpu.memory_space<hbm>>
        tpu.wait_dma2 semaphore(%run_scoped3A : memref<!tpu.dma_semaphore, #tpu.memory_space<semaphore_mem>>) src(%arg10 : memref<128x64xf32, #tpu.memory_space<vmem>>) dst(%dma_wait3A_116 : memref<128x64xf32, #tpu.memory_space<hbm>>)
        tpu.yield
      }) : () -> ()
    }
    %scan3A_7 = arith.constant 4 : i32
    return
  }
}

</mosaic_0001>

<sc_bundles>
// kernel: _sc_gather_pool.3.cloned.1.call-start
scs
__scs_entry_jumppad:
0x0: {  	(pc) =	sbr.rel $0x88, $3  }
0x1: {  	(tag) =	ssettag $0x0;
	lr =	simm.s32 $0x1  }
0x2: {  	[smem:$0x3F9F] =	sst lr;
	_ =	strace $0xD0000000  }
0x3: {  	_ = 	snop  }
0x4: {  	_ = 	snop  }
0x5: {  	_ = 	snop  }
0x6: {  	_ = 	snop  }
0x7: {  	_ = 	snop  }
__scs_overlays_trampoline_lowered:
0x8: {  	[smem:$0x3FAE] =	sst s0  }
0x9: {  	[smem:$0x3FAF] =	sst s1  }
0xa: {  	[smem:$0x3FB0] =	sst s2  }
0xb: {  	[smem:$0x3FB1] =	sst s3  }
0xc: {  	[smem:$0x3FB2] =	sst s4  }
0xd: {  	[smem:$0x3FB3] =	sst s5  }
0xe: {  	[smem:$0x3FB4] =	sst s6  }
0xf: {  	[smem:$0x3FB5] =	sst s7  }
0x10: {  	[smem:$0x3FB6] =	sst s8  }
0x11: {  	[smem:$0x3FB7] =	sst s9;
	s0 =	simm.s32 @!p0 $0x0  }
0x12: {  	s1 =	sld [smem:$0x3F9D];
	s0 =	simm.s32 @p0 $0x1  }
0x13: {  	[smem:$0x3FB8] =	sst s0;
	s0 =	simm.s32 @!p1 $0x0  }
0x14: {  	s2 =	sld [smem:$0x3F9C];
	s0 =	simm.s32 @p1 $0x1  }
0x15: {  	[smem:$0x3FB9] =	sst s0;
	s0 =	simm.s32 @!p2 $0x0  }
0x16: {  	s3 =	sld [smem:$0x3FDB];
	s0 =	simm.s32 @p2 $0x1  }
0x17: {  	s4 =	simm.s32 $0x1BF5;
	[smem:$0x3FBB] =	sst s0  }
0x18: {  	s0 =	sld [smem:$0x3F9E];
	_ =	swait.ge [sflag:s4], $0x0  }
0x19: {  	s7 =	sld [smem:$0x3F9F]  }
0x1a: {  	s8 =	sadd.s32 $0xFFFFE003, lr  }
0x1b: {  	s9 =	sadd.s32 $0xFFFFFEF7, lr;
	s5 =	simm.s32 $0xFFFFFFFF;
	p2 =	slt.u32 s8, $0xFFFFF086  }
0x1c: {  	p1 =	slt.u32 s9, $0xF7A;
	s5 =	simm.s32 @!p2 $0x0  }
0x1d: {  	s5 =	simm.s32 @p1 $0x1;
	p0 =	seq.s32 s7, s2  }
0x1e: {  	s7 =	smul.u32 @!p0 $0xF7A, s2;
	p2 =	seq.s32 @!p0 s5, $0x0  }
0x1f: {  	s9 =	smul.u32 $0xF7A, s1;
	s8 =	simm.s32 @!p0 $0x1BF5;
	p2 =	por !p2, p0  }
0x20: {  	[sflag:s8] =	ssyncset.s32 @!p0 $0xFFFFF086;
	s6 =	sadd.s32 @!p0 s3, s7;
	s7 =	simm.s32 @!p0 $0x108  }
0x21: {  	s3 =	sadd.s32 s3, s9;
	s6 =	sadd.s32 @!p0 $0x88, s6;
	s7 =	simm.s32 @p2 $0x1082  }
0x22: {  	[simem:s7], [sflag:s8] =	dma.local @!p0 [hbm:s6], $0xF7A  }
0x23: {  	s9 =	sor.u32 $0xD0000000, s2;
	s6 =	simm.s32 $0x108;
	_ =	swait.ge @!p0 [sflag:s8], $0x0  }
0x24: {  	s3 =	sadd.s32 $0x88, s3;
	s6 =	simm.s32 @!p1 $0x1082;
	[sflag:s4] =	ssyncset.s32 $0xFFFFF086  }
0x25: {  	[simem:s6], [sflag:s4] =	dma.local [hbm:s3], $0xF7A  }
0x26: {  	[smem:$0x3F9F] =	sst s1;
	(tag) =	ssettag s2;
	_ =	strace s9  }
0x27: {  	s1 =	sld [smem:$0x3FAF]  }
0x28: {  	s2 =	sld [smem:$0x3FB0]  }
0x29: {  	s4 =	sld [smem:$0x3FB2]  }
0x2a: {  	p0 =	seq.s32 s5, $0x0;
	s5 =	sld [smem:$0x3FB3]  }
0x2b: {  	s6 =	sld [smem:$0x3FB4]  }
0x2c: {  	s7 =	sld [smem:$0x3FB5]  }
0x2d: {  	s3 =	simm.s32 $0x108;
	s8 =	sld [smem:$0x3FB6]  }
0x2e: {  	s3 =	simm.s32 @!p0 $0x1082;
	s9 =	sld [smem:$0x3FB7]  }
0x2f: {  	lr =	sadd.s32 s0, s3;
	s0 =	sld [smem:$0x3FAE]  }
0x30: {  	s3 =	sld [smem:$0x3FB1]  }
0x31: {  	[smem:$0x3FBA] =	sst s10  }
0x32: {  	s10 =	sld [smem:$0x3FB8];
	_ =	sdelay $0x3  }
0x33: {  	p0 =	seq.s32 s10, $0x1;
	s10 =	sld [smem:$0x3FBA];
	_ =	sdelay $0x3  }
0x34: {  	[smem:$0x3FBA] =	sst s10  }
0x35: {  	s10 =	sld [smem:$0x3FB9];
	_ =	sdelay $0x3  }
0x36: {  	p1 =	seq.s32 s10, $0x1;
	s10 =	sld [smem:$0x3FBA];
	_ =	sdelay $0x3  }
0x37: {  	[smem:$0x3FBA] =	sst s10  }
0x38: {  	s10 =	sld [smem:$0x3FBB]  }
0x39: {  	_ = 	snop;
	(pc) =	sbr.ind lr, $3  }
0x3a: {  	_ = 	snop  }
0x3b: {  	_ = 	snop  }
0x3c: {  	p2 =	seq.s32 s10, $0x1;
	s10 =	sld [smem:$0x3FBA]  }
0x3d: {  	_ =	shalt  }
0x3e: {  	_ =	shalt  }
0x3f: {  	_ =	shalt  }
0x40: {  	_ =	shalt  }
0x41: {  	_ =	shalt  }
0x42: {  	_ =	shalt  }
0x43: {  	_ =	shalt  }
0x44: {  	_ =	shalt  }
0x45: {  	_ =	shalt  }
0x46: {  	_ =	shalt  }
0x47: {  	_ =	shalt  }
0x48: {  	_ =	shalt  }
0x49: {  	_ =	shalt  }
0x4a: {  	_ =	shalt  }
0x4b: {  	_ =	shalt  }
0x4c: {  	_ =	shalt  }
0x4d: {  	_ =	shalt  }
0x4e: {  	_ =	shalt  }
0x4f: {  	_ =	shalt  }
0x50: {  	_ =	shalt  }
0x51: {  	_ =	shalt  }
0x52: {  	_ =	shalt  }
0x53: {  	_ =	shalt  }
0x54: {  	_ =	shalt  }
0x55: {  	_ =	shalt  }
0x56: {  	_ =	shalt  }
0x57: {  	_ =	shalt  }
0x58: {  	_ =	shalt  }
0x59: {  	_ =	shalt  }
0x5a: {  	_ =	shalt  }
0x5b: {  	_ =	shalt  }
0x5c: {  	_ =	shalt  }
0x5d: {  	_ =	shalt  }
0x5e: {  	_ =	shalt  }
0x5f: {  	_ =	shalt  }
0x60: {  	_ =	shalt  }
0x61: {  	_ =	shalt  }
0x62: {  	_ =	shalt  }
0x63: {  	_ =	shalt  }
0x64: {  	_ =	shalt  }
0x65: {  	_ =	shalt  }
0x66: {  	_ =	shalt  }
0x67: {  	_ =	shalt  }
0x68: {  	_ =	shalt  }
0x69: {  	_ =	shalt  }
0x6a: {  	_ =	shalt  }
0x6b: {  	_ =	shalt  }
0x6c: {  	_ =	shalt  }
0x6d: {  	_ =	shalt  }
0x6e: {  	_ =	shalt  }
0x6f: {  	_ =	shalt  }
0x70: {  	_ =	shalt  }
0x71: {  	_ =	shalt  }
0x72: {  	_ =	shalt  }
0x73: {  	_ =	shalt  }
0x74: {  	_ =	shalt  }
0x75: {  	_ =	shalt  }
0x76: {  	_ =	shalt  }
0x77: {  	_ =	shalt  }
0x78: {  	_ =	shalt  }
0x79: {  	_ =	shalt  }
0x7a: {  	_ =	shalt  }
0x7b: {  	_ =	shalt  }
0x7c: {  	_ =	shalt  }
0x7d: {  	_ =	shalt  }
0x7e: {  	_ =	shalt  }
0x7f: {  	_ =	shalt  }
0x80: {  	_ =	shalt  }
0x81: {  	_ =	shalt  }
0x82: {  	_ =	shalt  }
0x83: {  	_ =	shalt  }
0x84: {  	_ =	shalt  }
0x85: {  	_ =	shalt  }
0x86: {  	_ =	shalt  }
0x87: {  	_ =	shalt  }
.Lfunc_end0:
.L_simem_size_0:
called_computation_lowered:
.L_overlay_start_0:
0x88: {  	s2 =	sld [smem:$0x3FD9]  }
0x89: {  	s3 =	sld [smem:$0x3FFE];
	_ =	sdelay $0x1  }
0x8a: {  	s1 =	srdreg.scid  }
0x8b: {  	s0 =	sand.u32 $0x1, s1  }
0x8c: {  	s17 =	sshll.u32 s0, $0xA;
	s2 =	sadd.s32 s3, s2  }
0x8d: {  	s2 =	sadd.s32 s2, s17  }
0x8e: {  	[smem:$0x3FC6] =	sst s2  }
0x8f: {  	_ = 	snop  }
0x90: {  	s2 =	sld [smem:$0x3FC9]  }
0x91: {  	s18 =	sld [smem:$0x3FD0];
	(tm) =	ssettm $0x1  }
0x92: {  	s4 =	sld [smem:$0x3FFB];
	_ =	sdelay $0x3  }
0x93: {  	_ =	strace s4  }
0x94: {  	s4 =	sld [smem:$0x3FFC];
	_ =	sdelay $0x3  }
0x95: {  	_ =	strace s4  }
0x96: {  	s4 =	sld [smem:$0x3FFD];
	_ =	sdelay $0x3  }
0x97: {  	_ =	strace s4  }
0x98: {  	_ =	strace $0x8FFFFFFF  }
0x99: {  	s19 =	sld [smem:$0x3FDB];
	_ =	sdelay $0x1  }
0x9a: {  	s5 =	simm.s32 $_scs_section_size  }
0x9b: {  	s6 =	simm.s32 $_size__tile_overlayer_lowered;
	s7 =	simm.s32 $_tile_overlayer_lowered  }
0x9c: {  	s22 =	simm.s32 $0x1BFF;
	s21 =	sshll.u32 s7, $0x1;
	s4 =	sadd.s32 s5, s19  }
0x9d: {  	s8 =	simm.s32 $0x0;
	s20 =	sshll.u32 s6, $0x1;
	s6 =	sadd.s32 s21, s4  }
0x9e: {  	[timem:s8], [sflag:s22] =	dma.local [hbm:s6], s20  }
0x9f: {  	_ =	swait.ge [sflag:s22], s20  }
0xa0: {  	s5 =	ssub.s32 $0x0, s20;
	[sflag:s22] =	ssyncset.done $0x0  }
0xa1: {  	[sflag:s22] =	ssyncadd.s32 s5;
	_ =	sdelay $0x1  }
0xa2: {  	s23 =	simm.s32 $0x1B8B  }
0xa3: {  	_ =	swait.ge [sflag:s23], $0x1  }
0xa4: {  	[sflag:s23] =	ssyncset.done $0x0  }
0xa5: {  	s25 =	simm.s32 $0x1B8E;
	s24 =	sld [smem:$0x3FFE];
	[sflag:s23] =	ssyncadd.s32 $0xFFFFFFFF  }
0xa6: {  	s26 =	simm.s32 $execute0_lowered;
	[smem:$0x3FD2] =	sst s25  }
0xa7: {  	s6 =	sshll.u32 s26, $0x1;
	_ =	strace $0x80000046;
	[dreg:$0x1] =	wrdreg $0xFFFFFFFF  }
0xa8: {  	s28 =	simm.s32 $_size_execute0_lowered;
	s4 =	sadd.s32 s4, s6;
	[dreg:$0x0] =	wrdreg $0x0  }
0xa9: {  	s6 =	sshll.u32 s28, $0x1;
	[dreg:$0x2] =	wrdreg s4  }
0xaa: {  	[dreg:$0x3] =	wrdreg s6  }
0xab: {  	[dreg:$0x4] =	wrdreg $0xC0  }
0xac: {  	_ =	task [dreg:s8], $0x5FFFF  }
0xad: {  	[dreg:$0x1] =	wrdreg $0xFFFFFFFF  }
0xae: {  	[dreg:$0x0] =	wrdreg $0x60  }
0xaf: {  	[dreg:$0x2] =	wrdreg s2  }
0xb0: {  	[dreg:$0x3] =	wrdreg s24  }
0xb1: {  	[dreg:$0x4] =	wrdreg s18  }
0xb2: {  	[dreg:$0x5] =	wrdreg $0x9  }
0xb3: {  	_ =	task.clear_ibuf [dreg:s8], $0x6FFFF;
	_ =	strace $0x90000046  }
0xb4: {  	s29 =	simm.s32 $0x9;
	_ =	strace $0x80000048  }
0xb5: {  	_ =	swait.ge [sflag:s29], $0x1  }
0xb6: {  	[sflag:s29] =	ssyncadd.s32 $0xFFFFFFFF  }
0xb7: {  	_ =	strace $0x90000048  }
0xb8: {  	_ =	sfence  }
0xb9: {  	s30 =	sld [smem:$0x0];
	_ =	sdelay $0x2  }
0xba: {  	s31 =	sshll.u32 s1, $0xD;
	s1 =	sshrl.u32 s1, $0x2  }
0xbb: {  	s3 =	sand.u32 $0x4000, s31;
	s1 =	sadd.s32 s1, s30  }
0xbc: {  	s0 =	sor.u32 s3, s0;
	s1 =	sshll.u32 s1, $0x11  }
0xbd: {  	s0 =	sor.u32 s1, s0  }
0xbe: {  	s0 =	sadd.s32 $0x8F2B, s0  }
0xbf: {  	[sflag:s0] =	ssyncadd.remote.s32 $0x1  }
0xc0: {  	_ =	sfence.sel $0xFFFF  }
0xc1: {  	[dreg:$0x0] =	wrdreg $0xFFFFFFFF;
	(pc) =	sbr.abs _section_cstart, $3  }
0xc2: {  	[dreg:$0x1] =	wrdreg $0xFFFFFFFF  }
0xc3: {  	_ =	task.clear_ibuf [dreg:s8], $0x2FFFF;
	_ =	strace $0x9FFFFFFF  }
0xc4: {  	(tm) =	ssettm $0x7FFFFFFF  }
0xc5: {  	_ =	shalt  }
tec
execute0_lowered:
.L_overlay_start_1:
0x0: {  	(tag) =	ssettag $0x1  }
0x1: {  	s0 =	rddreg [dreg:$0x1];
	s2 =	simm.s32 $0x0;
	s1 =	srdreg.scid  }
0x2: {  	s4 =	stileid.u32;
	s8 =	simm.s32 $0x5;
	s9 =	simm.s32 $0x80  }
0x3: {  	s10 =	simm.s32 $0x6400;
	s11 =	simm.s32 $0x48;
	s12 =	simm.s32 $0x8400  }
0x4: {  	s13 =	simm.s32 $0xC8;
	s14 =	simm.s32 $0x9600;
	s15 =	simm.s32 $0x148  }
0x5: {  	s16 =	simm.s32 $0xB600;
	s17 =	simm.s32 $0x190;
	s18 =	simm.s32 $0xC800  }
0x6: {  	s19 =	simm.s32 $0x210;
	s20 =	simm.s32 $0xE800;
	s21 =	simm.s32 $0x258  }
0x7: {  	s22 =	simm.s32 $0xFA00;
	s23 =	simm.s32 $0x2D8;
	s24 =	simm.s32 $0x11A00  }
0x8: {  	s25 =	simm.s32 $0x1;
	s28 =	simm.s32 $0x3;
	s1 =	sand.u32 $0x1, s1  }
0x9: {  	s29 =	simm.s32 $0x4;
	s30 =	simm.s32 $0x12C00;
	s26 =	ssub.s32 $0x2, s1  }
0xa: {  	[smem:$0x7FF] =	sst s2;
	s4 =	sshll.u32 s4, $0xA;
	s3 =	sshrl.u32 s26, $0x1  }
0xb: {  	s5 =	sadd.s32 $0xF42800, s0;
	s1 =	sshll.u32 s1, $0x9;
	s31 =	ssub.s32 s26, s3  }
0xc: {  	_ =	strace $0x80000047;
	s6 =	sor.u32 s1, s4;
	s0 =	smax.u32 s31, $0x1  }
0xd: {  	s1 =	simm.s32 $0x0;
	s26 =	simm.s32 $0x2;
	[dreg:$0x4] =	wrdreg s0  }
.LBB2_1:
0xe: {  	[dreg:$0x5] =	wrdreg s1;
	s0 =	simm.s32 $0x0  }
.LBB2_2:
0xf: {  	s1 =	sshll.u32 s0, $0x7  }
0x10: {  	s4 =	sadd.s32 s6, s1  }
0x11: {  	s1 =	smul.u32 $0x19, s4  }
0x12: {  	s2 =	rddreg [dreg:$0x0]  }
0x13: {  	s7 =	simm.s32 $0x0;
	s1 =	sadd.s32 s2, s1  }
0x14: {  	[tilespmem:s7], [sflag:$0x5] =	stream.linear.gather [hbm4b:s1+s7], $0x6400, $0x38;
	[tilespmem:$0x14C00] =	vst v63  }
0x15: {  	_ =	swait.ge [sflag:s8], $0x6400  }
0x16: {  	[sflag:s8] =	ssyncset.done $0x0  }
0x17: {  	[sflag:s8] =	ssyncadd.s32 $0xFFFF9C00  }
0x18: {  	[tilespmem:s10], [sflag:$0x1] =	stream.indirect.gather [hbm4b:s5+s9], $0x40, s7, s9, $0xb8;
	[tilespmem:$0x14C00] =	vst v63  }
0x19: {  	_ = 	snop  }
0x1a: {  	[tilespmem:s12], [sflag:$0x1] =	stream.indirect.gather [hbm4b:s5+s11], $0x40, s9, s11, $0xb8;
	[tilespmem:$0x14C00] =	vst v63  }
0x1b: {  	_ = 	snop  }
0x1c: {  	[tilespmem:s14], [sflag:$0x2] =	stream.indirect.gather [hbm4b:s5+s9], $0x40, s13, s9, $0xb8;
	[tilespmem:$0x14C00] =	vst v63  }
0x1d: {  	_ = 	snop  }
0x1e: {  	[tilespmem:s16], [sflag:$0x2] =	stream.indirect.gather [hbm4b:s5+s11], $0x40, s15, s11, $0xb8;
	[tilespmem:$0x14C00] =	vst v63  }
0x1f: {  	_ = 	snop  }
0x20: {  	[tilespmem:s18], [sflag:$0x3] =	stream.indirect.gather [hbm4b:s5+s9], $0x40, s17, s9, $0xb8;
	[tilespmem:$0x14C00] =	vst v63  }
0x21: {  	_ = 	snop  }
0x22: {  	[tilespmem:s20], [sflag:$0x3] =	stream.indirect.gather [hbm4b:s5+s11], $0x40, s19, s11, $0xb8;
	[tilespmem:$0x14C00] =	vst v63  }
0x23: {  	_ = 	snop  }
0x24: {  	[tilespmem:s22], [sflag:$0x4] =	stream.indirect.gather [hbm4b:s5+s9], $0x40, s21, s9, $0xb8;
	[tilespmem:$0x14C00] =	vst v63  }
0x25: {  	_ = 	snop  }
0x26: {  	[tilespmem:s24], [sflag:$0x4] =	stream.indirect.gather [hbm4b:s5+s11], $0x40, s23, s11, $0xb8;
	[tilespmem:$0x14C00] =	vst v63  }
.LBB2_3:
0x27: {  	_ =	swait.ge [sflag:s25], $0x3200  }
0x28: {  	[sflag:s25] =	ssyncset.done $0x0  }
0x29: {  	s2 =	simm.s32 $0x6500;
	[sflag:s25] =	ssyncadd.s32 $0xFFFFCE00  }
0x2a: {  	v1 =	vld [tilespmem:s2+$0xC0]  }
0x2b: {  	v0 =	vld [tilespmem:s2+$0xD0]  }
0x2c: {  	v2 =	vld [tilespmem:s2+$0x80]  }
0x2d: {  	v3 =	vld [tilespmem:s2+$0x90]  }
0x2e: {  	v9 =	vld [tilespmem:s2+$0x40]  }
0x2f: {  	v12 =	vld [tilespmem:s2+$0x50]  }
0x30: {  	v5 =	vld [tilespmem:s2+$0x0]  }
0x31: {  	v8 =	vld [tilespmem:s2+$0x10]  }
0x32: {  	v6 =	vld [tilespmem:s2+$0xFFFFFFC0]  }
0x33: {  	v7 =	vld [tilespmem:s2+$0xFFFFFFD0]  }
0x34: {  	v4 =	vld [tilespmem:s2+$0xFFFFFF80]  }
0x35: {  	v10 =	vld [tilespmem:s2+$0xFFFFFF90]  }
0x36: {  	v11 =	vld [tilespmem:s2+$0xFFFFFF40]  }
0x37: {  	v13 =	vld [tilespmem:s2+$0xFFFFFF50]  }
0x38: {  	v14 =	vld [tilespmem:s2+$0xFFFFFF00]  }
0x39: {  	v15 =	vld [tilespmem:s2+$0xFFFFFF10]  }
0x3a: {  	v16 =	vld [tilespmem:s2+$0xFFFFFF20]  }
0x3b: {  	v17 =	vld [tilespmem:s2+$0xFFFFFF30]  }
0x3c: {  	v18 =	vld [tilespmem:s2+$0xFFFFFF60]  }
0x3d: {  	v19 =	vld [tilespmem:s2+$0xFFFFFF70]  }
0x3e: {  	v20 =	vimm.f32 $0.0e+00;
	v21 =	vld [tilespmem:s2+$0xFFFFFFA0]  }
0x3f: {  	v22 =	vld [tilespmem:s2+$0xFFFFFFB0];
	v14 =	vadd.f32 v14, v20;
	v15 =	vadd.f32 v15, v20  }
0x40: {  	v59 =	vld [tilespmem:s2+$0xFFFFFFE0];
	v16 =	vadd.f32 v16, v20;
	v17 =	vadd.f32 v17, v20  }
0x41: {  	v11 =	vadd.f32 v11, v14;
	v13 =	vadd.f32 v13, v15;
	v14 =	vld [tilespmem:s2+$0xFFFFFFF0]  }
0x42: {  	v61 =	vld [tilespmem:s2+$0x20];
	v15 =	vadd.f32 v18, v16;
	v60 =	vadd.f32 v19, v17  }
0x43: {  	v11 =	vadd.f32 v4, v11;
	v10 =	vadd.f32 v10, v13;
	v13 =	vld [tilespmem:s2+$0x30]  }
0x44: {  	v15 =	vadd.f32 v21, v15;
	v16 =	vadd.f32 v22, v60;
	v4 =	vld [tilespmem:s2+$0x60]  }
0x45: {  	v11 =	vadd.f32 v6, v11;
	v10 =	vadd.f32 v7, v10;
	v7 =	vld [tilespmem:s2+$0x70]  }
0x46: {  	v15 =	vadd.f32 v59, v15;
	v6 =	vld [tilespmem:s2+$0xA0];
	v14 =	vadd.f32 v14, v16  }
0x47: {  	v62 =	vadd.f32 v5, v11;
	v63 =	vadd.f32 v8, v10;
	v8 =	vld [tilespmem:s2+$0xB0]  }
0x48: {  	v11 =	vadd.f32 v61, v15;
	v5 =	vld [tilespmem:s2+$0xE0];
	v10 =	vadd.f32 v13, v14  }
0x49: {  	s1 =	simm.s32 $0x0;
	v13 =	vadd.f32 v9, v62;
	v12 =	vadd.f32 v12, v63;
	v9 =	vld [tilespmem:s2+$0xF0];
	s2 =	simm.s32 $0x6700  }
.LBB2_4:
0x4a: {  	v14 =	vld [tilespmem:s2+$0xC0];
	v4 =	vadd.f32 v4, v11;
	v7 =	vadd.f32 v7, v10  }
0x4b: {  	v10 =	vld [tilespmem:s2+$0xD0];
	v11 =	vadd.f32 v2, v13;
	v12 =	vadd.f32 v3, v12  }
0x4c: {  	v2 =	vld [tilespmem:s2+$0x80];
	v4 =	vadd.f32 v6, v4;
	v6 =	vadd.f32 v8, v7  }
0x4d: {  	v3 =	vld [tilespmem:s2+$0x90];
	v7 =	vadd.f32 v1, v11;
	v8 =	vadd.f32 v0, v12  }
0x4e: {  	v12 =	vld [tilespmem:s2+$0x40];
	v4 =	vadd.f32 v5, v4;
	v5 =	vadd.f32 v9, v6  }
0x4f: {  	v9 =	vld [tilespmem:s2+$0x50];
	v1 =	vmov v14  }
0x50: {  	v11 =	vld [tilespmem:s2+$0x0];
	v0 =	vmov v10  }
0x51: {  	v10 =	vld [tilespmem:s2+$0x10]  }
0x52: {  	v6 =	vld [tilespmem:s2+$0xFFFFFFC0]  }
0x53: {  	v13 =	vld [tilespmem:s2+$0xFFFFFFD0]  }
0x54: {  	v14 =	vld [tilespmem:s2+$0xFFFFFF80]  }
0x55: {  	v15 =	vld [tilespmem:s2+$0xFFFFFF90]  }
0x56: {  	v16 =	vld [tilespmem:s2+$0xFFFFFF40]  }
0x57: {  	v17 =	vld [tilespmem:s2+$0xFFFFFF50]  }
0x58: {  	v18 =	vld [tilespmem:s2+$0xFFFFFF00]  }
0x59: {  	v19 =	vld [tilespmem:s2+$0xFFFFFF10]  }
0x5a: {  	v20 =	vld [tilespmem:s2+$0xFFFFFF20]  }
0x5b: {  	s1 =	sadd.s32 $0x8, s1;
	v21 =	vld [tilespmem:s2+$0xFFFFFF30]  }
0x5c: {  	p0 =	slt.u32 s1, $0xC0;
	v22 =	vld [tilespmem:s2+$0xFFFFFF60]  }
0x5d: {  	v23 =	vld [tilespmem:s2+$0xFFFFFF70]  }
0x5e: {  	v24 =	vld [tilespmem:s2+$0xFFFFFFA0]  }
0x5f: {  	v7 =	vadd.f32 v18, v7;
	v8 =	vadd.f32 v19, v8;
	v18 =	vld [tilespmem:s2+$0xFFFFFFB0]  }
0x60: {  	v4 =	vadd.f32 v20, v4;
	v5 =	vadd.f32 v21, v5;
	v19 =	vld [tilespmem:s2+$0xFFFFFFE0]  }
0x61: {  	v7 =	vadd.f32 v16, v7;
	v8 =	vadd.f32 v17, v8;
	v16 =	vld [tilespmem:s2+$0xFFFFFFF0]  }
0x62: {  	v4 =	vadd.f32 v22, v4;
	v5 =	vadd.f32 v23, v5;
	v17 =	vld [tilespmem:s2+$0x20]  }
0x63: {  	v7 =	vadd.f32 v14, v7;
	v8 =	vadd.f32 v15, v8;
	v14 =	vld [tilespmem:s2+$0x30]  }
0x64: {  	v15 =	vadd.f32 v24, v4;
	v5 =	vadd.f32 v18, v5;
	v4 =	vld [tilespmem:s2+$0x60]  }
.Ltmp0:
0x65: {  	v18 =	vadd.f32 v6, v7;
	v8 =	vadd.f32 v13, v8;
	v7 =	vld [tilespmem:s2+$0x70];
	(pc) =	sbr.rel @p0 .LBB2_4-.Ltmp0, $4  }
0x66: {  	v13 =	vadd.f32 v19, v15;
	v5 =	vadd.f32 v16, v5;
	v6 =	vld [tilespmem:s2+$0xA0]  }
0x67: {  	v15 =	vadd.f32 v11, v18;
	v16 =	vadd.f32 v10, v8;
	v8 =	vld [tilespmem:s2+$0xB0]  }
0x68: {  	v11 =	vadd.f32 v17, v13;
	v10 =	vadd.f32 v14, v5;
	v5 =	vld [tilespmem:s2+$0xE0]  }
0x69: {  	v13 =	vadd.f32 v12, v15;
	v12 =	vadd.f32 v9, v16;
	v9 =	vld [tilespmem:s2+$0xF0];
	s2 =	sadd.s32 $0x200, s2  }
0x6a: {  	_ = 	snop  }
0x6b: {  	v4 =	vadd.f32 v4, v11;
	v2 =	vadd.f32 v2, v13  }
0x6c: {  	v7 =	vadd.f32 v7, v10;
	v3 =	vadd.f32 v3, v12  }
0x6d: {  	s1 =	sshll.u32 s7, $0x2;
	s2 =	sshll.u32 s7, $0x8;
	v4 =	vadd.f32 v6, v4;
	v1 =	vadd.f32 v1, v2  }
0x6e: {  	s31 =	sand.u32 $0x3FFFFF00, s2;
	s3 =	smin.u32 s1, $0x7B;
	v2 =	vadd.f32 v8, v7;
	v0 =	vadd.f32 v0, v3  }
0x6f: {  	s2 =	smul.u32 $0x320, s3;
	v3 =	vadd.f32 v5, v4;
	[tilespmem:s31+$0x12C00] =	vst v1  }
0x70: {  	v1 =	vadd.f32 v9, v2;
	[tilespmem:s31+$0x12C10] =	vst v0  }
0x71: {  	s2 =	sshrl.u32 s2, $0x2;
	[tilespmem:s31+$0x12C20] =	vst v3  }
0x72: {  	s3 =	sadd.s32 $0x320, s2;
	[tilespmem:s31+$0x12C30] =	vst v1  }
0x73: {  	[tilespmem:s10], [sflag:$0x1] =	stream.indirect.gather [hbm4b:s5+s9], $0x40, s3, s9, $0xb8;
	[tilespmem:$0x14C00] =	vst v63  }
0x74: {  	s2 =	sadd.s32 $0x3A0, s2  }
0x75: {  	[tilespmem:s12], [sflag:$0x1] =	stream.indirect.gather [hbm4b:s5+s11], $0x40, s2, s11, $0xb8;
	[tilespmem:$0x14C00] =	vst v63  }
0x76: {  	_ =	swait.ge [sflag:s26], $0x3200  }
0x77: {  	[sflag:s26] =	ssyncset.done $0x0  }
0x78: {  	s3 =	simm.s32 $0x9700;
	[sflag:s26] =	ssyncadd.s32 $0xFFFFCE00  }
0x79: {  	v0 =	vld [tilespmem:s3+$0xC0]  }
0x7a: {  	v1 =	vld [tilespmem:s3+$0xD0]  }
0x7b: {  	v2 =	vld [tilespmem:s3+$0x80]  }
0x7c: {  	v3 =	vld [tilespmem:s3+$0x90]  }
0x7d: {  	v9 =	vld [tilespmem:s3+$0x40]  }
0x7e: {  	v12 =	vld [tilespmem:s3+$0x50]  }
0x7f: {  	v6 =	vld [tilespmem:s3+$0x0]  }
0x80: {  	v8 =	vld [tilespmem:s3+$0x10]  }
0x81: {  	v5 =	vld [tilespmem:s3+$0xFFFFFFC0]  }
0x82: {  	v7 =	vld [tilespmem:s3+$0xFFFFFFD0]  }
0x83: {  	v4 =	vld [tilespmem:s3+$0xFFFFFF80]  }
0x84: {  	v10 =	vld [tilespmem:s3+$0xFFFFFF90]  }
0x85: {  	v11 =	vld [tilespmem:s3+$0xFFFFFF40]  }
0x86: {  	v13 =	vld [tilespmem:s3+$0xFFFFFF50]  }
0x87: {  	v14 =	vld [tilespmem:s3+$0xFFFFFF00]  }
0x88: {  	v15 =	vld [tilespmem:s3+$0xFFFFFF10]  }
0x89: {  	v16 =	vld [tilespmem:s3+$0xFFFFFF20]  }
0x8a: {  	v17 =	vld [tilespmem:s3+$0xFFFFFF30]  }
0x8b: {  	v18 =	vld [tilespmem:s3+$0xFFFFFF60]  }
0x8c: {  	v19 =	vld [tilespmem:s3+$0xFFFFFF70]  }
0x8d: {  	v20 =	vimm.f32 $0.0e+00;
	v21 =	vld [tilespmem:s3+$0xFFFFFFA0]  }
0x8e: {  	v22 =	vld [tilespmem:s3+$0xFFFFFFB0];
	v14 =	vadd.f32 v14, v20;
	v15 =	vadd.f32 v15, v20  }
0x8f: {  	v59 =	vld [tilespmem:s3+$0xFFFFFFE0];
	v16 =	vadd.f32 v16, v20;
	v17 =	vadd.f32 v17, v20  }
0x90: {  	v11 =	vadd.f32 v11, v14;
	v13 =	vadd.f32 v13, v15;
	v14 =	vld [tilespmem:s3+$0xFFFFFFF0]  }
0x91: {  	v61 =	vld [tilespmem:s3+$0x20];
	v15 =	vadd.f32 v18, v16;
	v60 =	vadd.f32 v19, v17  }
0x92: {  	v11 =	vadd.f32 v4, v11;
	v10 =	vadd.f32 v10, v13;
	v13 =	vld [tilespmem:s3+$0x30]  }
0x93: {  	v15 =	vadd.f32 v21, v15;
	v16 =	vadd.f32 v22, v60;
	v4 =	vld [tilespmem:s3+$0x60]  }
0x94: {  	v11 =	vadd.f32 v5, v11;
	v10 =	vadd.f32 v7, v10;
	v7 =	vld [tilespmem:s3+$0x70]  }
0x95: {  	v15 =	vadd.f32 v59, v15;
	v5 =	vld [tilespmem:s3+$0xA0];
	v14 =	vadd.f32 v14, v16  }
0x96: {  	v62 =	vadd.f32 v6, v11;
	v63 =	vadd.f32 v8, v10;
	v8 =	vld [tilespmem:s3+$0xB0]  }
0x97: {  	v11 =	vadd.f32 v61, v15;
	v6 =	vld [tilespmem:s3+$0xE0];
	v10 =	vadd.f32 v13, v14  }
0x98: {  	s2 =	simm.s32 $0x0;
	v13 =	vadd.f32 v9, v62;
	v12 =	vadd.f32 v12, v63;
	v9 =	vld [tilespmem:s3+$0xF0];
	s3 =	simm.s32 $0x9900  }
.LBB2_6:
0x99: {  	v14 =	vld [tilespmem:s3+$0xC0];
	v4 =	vadd.f32 v4, v11;
	v7 =	vadd.f32 v7, v10  }
0x9a: {  	v10 =	vld [tilespmem:s3+$0xD0];
	v11 =	vadd.f32 v2, v13;
	v12 =	vadd.f32 v3, v12  }
0x9b: {  	v2 =	vld [tilespmem:s3+$0x80];
	v4 =	vadd.f32 v5, v4;
	v5 =	vadd.f32 v8, v7  }
0x9c: {  	v3 =	vld [tilespmem:s3+$0x90];
	v7 =	vadd.f32 v0, v11;
	v8 =	vadd.f32 v1, v12  }
0x9d: {  	v12 =	vld [tilespmem:s3+$0x40];
	v4 =	vadd.f32 v6, v4;
	v5 =	vadd.f32 v9, v5  }
0x9e: {  	v9 =	vld [tilespmem:s3+$0x50];
	v0 =	vmov v14  }
0x9f: {  	v6 =	vld [tilespmem:s3+$0x0];
	v1 =	vmov v10  }
0xa0: {  	v10 =	vld [tilespmem:s3+$0x10]  }
0xa1: {  	v11 =	vld [tilespmem:s3+$0xFFFFFFC0]  }
0xa2: {  	v13 =	vld [tilespmem:s3+$0xFFFFFFD0]  }
0xa3: {  	v14 =	vld [tilespmem:s3+$0xFFFFFF80]  }
0xa4: {  	v15 =	vld [tilespmem:s3+$0xFFFFFF90]  }
0xa5: {  	v16 =	vld [tilespmem:s3+$0xFFFFFF40]  }
0xa6: {  	v17 =	vld [tilespmem:s3+$0xFFFFFF50]  }
0xa7: {  	v18 =	vld [tilespmem:s3+$0xFFFFFF00]  }
0xa8: {  	v19 =	vld [tilespmem:s3+$0xFFFFFF10]  }
0xa9: {  	v20 =	vld [tilespmem:s3+$0xFFFFFF20]  }
0xaa: {  	s2 =	sadd.s32 $0x8, s2;
	v21 =	vld [tilespmem:s3+$0xFFFFFF30]  }
0xab: {  	p0 =	slt.u32 s2, $0xC0;
	v22 =	vld [tilespmem:s3+$0xFFFFFF60]  }
0xac: {  	v23 =	vld [tilespmem:s3+$0xFFFFFF70]  }
0xad: {  	v24 =	vld [tilespmem:s3+$0xFFFFFFA0]  }
0xae: {  	v7 =	vadd.f32 v18, v7;
	v8 =	vadd.f32 v19, v8;
	v18 =	vld [tilespmem:s3+$0xFFFFFFB0]  }
0xaf: {  	v4 =	vadd.f32 v20, v4;
	v5 =	vadd.f32 v21, v5;
	v19 =	vld [tilespmem:s3+$0xFFFFFFE0]  }
0xb0: {  	v7 =	vadd.f32 v16, v7;
	v8 =	vadd.f32 v17, v8;
	v16 =	vld [tilespmem:s3+$0xFFFFFFF0]  }
0xb1: {  	v4 =	vadd.f32 v22, v4;
	v5 =	vadd.f32 v23, v5;
	v17 =	vld [tilespmem:s3+$0x20]  }
0xb2: {  	v7 =	vadd.f32 v14, v7;
	v8 =	vadd.f32 v15, v8;
	v14 =	vld [tilespmem:s3+$0x30]  }
0xb3: {  	v15 =	vadd.f32 v24, v4;
	v5 =	vadd.f32 v18, v5;
	v4 =	vld [tilespmem:s3+$0x60]  }
.Ltmp1:
0xb4: {  	v11 =	vadd.f32 v11, v7;
	v8 =	vadd.f32 v13, v8;
	v7 =	vld [tilespmem:s3+$0x70];
	(pc) =	sbr.rel @p0 .LBB2_6-.Ltmp1, $4  }
0xb5: {  	v13 =	vadd.f32 v19, v15;
	v15 =	vadd.f32 v16, v5;
	v5 =	vld [tilespmem:s3+$0xA0]  }
0xb6: {  	v16 =	vadd.f32 v6, v11;
	v18 =	vadd.f32 v10, v8;
	v8 =	vld [tilespmem:s3+$0xB0]  }
0xb7: {  	v11 =	vadd.f32 v17, v13;
	v10 =	vadd.f32 v14, v15;
	v6 =	vld [tilespmem:s3+$0xE0]  }
0xb8: {  	v13 =	vadd.f32 v12, v16;
	v12 =	vadd.f32 v9, v18;
	v9 =	vld [tilespmem:s3+$0xF0];
	s3 =	sadd.s32 $0x200, s3  }
0xb9: {  	_ = 	snop  }
0xba: {  	v4 =	vadd.f32 v4, v11;
	v2 =	vadd.f32 v2, v13  }
0xbb: {  	v7 =	vadd.f32 v7, v10;
	v3 =	vadd.f32 v3, v12  }
0xbc: {  	v4 =	vadd.f32 v5, v4;
	v0 =	vadd.f32 v0, v2  }
0xbd: {  	s2 =	smin.u32 s1, $0x7A;
	v2 =	vadd.f32 v8, v7;
	v1 =	vadd.f32 v1, v3  }
0xbe: {  	s2 =	smul.u32 $0x320, s2;
	v3 =	vadd.f32 v6, v4;
	[tilespmem:s31+$0x12C40] =	vst v0  }
0xbf: {  	v0 =	vadd.f32 v9, v2;
	[tilespmem:s31+$0x12C50] =	vst v1  }
0xc0: {  	s2 =	sshrl.u32 s2, $0x2;
	[tilespmem:s31+$0x12C60] =	vst v3  }
0xc1: {  	s3 =	sadd.s32 $0x3E8, s2;
	[tilespmem:s31+$0x12C70] =	vst v0  }
0xc2: {  	[tilespmem:s14], [sflag:$0x2] =	stream.indirect.gather [hbm4b:s5+s9], $0x40, s3, s9, $0xb8;
	[tilespmem:$0x14C00] =	vst v63  }
0xc3: {  	s2 =	sadd.s32 $0x468, s2  }
0xc4: {  	[tilespmem:s16], [sflag:$0x2] =	stream.indirect.gather [hbm4b:s5+s11], $0x40, s2, s11, $0xb8;
	[tilespmem:$0x14C00] =	vst v63  }
0xc5: {  	_ =	swait.ge [sflag:s28], $0x3200  }
0xc6: {  	[sflag:s28] =	ssyncset.done $0x0  }
0xc7: {  	s3 =	simm.s32 $0xC900;
	[sflag:s28] =	ssyncadd.s32 $0xFFFFCE00  }
0xc8: {  	v0 =	vld [tilespmem:s3+$0xC0]  }
0xc9: {  	v1 =	vld [tilespmem:s3+$0xD0]  }
0xca: {  	v2 =	vld [tilespmem:s3+$0x80]  }
0xcb: {  	v3 =	vld [tilespmem:s3+$0x90]  }
0xcc: {  	v9 =	vld [tilespmem:s3+$0x40]  }
0xcd: {  	v12 =	vld [tilespmem:s3+$0x50]  }
0xce: {  	v6 =	vld [tilespmem:s3+$0x0]  }
0xcf: {  	v8 =	vld [tilespmem:s3+$0x10]  }
0xd0: {  	v5 =	vld [tilespmem:s3+$0xFFFFFFC0]  }
0xd1: {  	v7 =	vld [tilespmem:s3+$0xFFFFFFD0]  }
0xd2: {  	v4 =	vld [tilespmem:s3+$0xFFFFFF80]  }
0xd3: {  	v10 =	vld [tilespmem:s3+$0xFFFFFF90]  }
0xd4: {  	v11 =	vld [tilespmem:s3+$0xFFFFFF40]  }
0xd5: {  	v13 =	vld [tilespmem:s3+$0xFFFFFF50]  }
0xd6: {  	v14 =	vld [tilespmem:s3+$0xFFFFFF00]  }
0xd7: {  	v15 =	vld [tilespmem:s3+$0xFFFFFF10]  }
0xd8: {  	v16 =	vld [tilespmem:s3+$0xFFFFFF20]  }
0xd9: {  	v17 =	vld [tilespmem:s3+$0xFFFFFF30]  }
0xda: {  	v18 =	vld [tilespmem:s3+$0xFFFFFF60]  }
0xdb: {  	v19 =	vld [tilespmem:s3+$0xFFFFFF70]  }
0xdc: {  	v20 =	vimm.f32 $0.0e+00;
	v21 =	vld [tilespmem:s3+$0xFFFFFFA0]  }
0xdd: {  	v22 =	vld [tilespmem:s3+$0xFFFFFFB0];
	v14 =	vadd.f32 v14, v20;
	v15 =	vadd.f32 v15, v20  }
0xde: {  	v59 =	vld [tilespmem:s3+$0xFFFFFFE0];
	v16 =	vadd.f32 v16, v20;
	v17 =	vadd.f32 v17, v20  }
0xdf: {  	v11 =	vadd.f32 v11, v14;
	v13 =	vadd.f32 v13, v15;
	v14 =	vld [tilespmem:s3+$0xFFFFFFF0]  }
0xe0: {  	v61 =	vld [tilespmem:s3+$0x20];
	v15 =	vadd.f32 v18, v16;
	v60 =	vadd.f32 v19, v17  }
0xe1: {  	v11 =	vadd.f32 v4, v11;
	v10 =	vadd.f32 v10, v13;
	v13 =	vld [tilespmem:s3+$0x30]  }
0xe2: {  	v15 =	vadd.f32 v21, v15;
	v16 =	vadd.f32 v22, v60;
	v4 =	vld [tilespmem:s3+$0x60]  }
0xe3: {  	v11 =	vadd.f32 v5, v11;
	v10 =	vadd.f32 v7, v10;
	v7 =	vld [tilespmem:s3+$0x70]  }
0xe4: {  	v15 =	vadd.f32 v59, v15;
	v5 =	vld [tilespmem:s3+$0xA0];
	v14 =	vadd.f32 v14, v16  }
0xe5: {  	v62 =	vadd.f32 v6, v11;
	v63 =	vadd.f32 v8, v10;
	v8 =	vld [tilespmem:s3+$0xB0]  }
0xe6: {  	v11 =	vadd.f32 v61, v15;
	v6 =	vld [tilespmem:s3+$0xE0];
	v10 =	vadd.f32 v13, v14  }
0xe7: {  	s2 =	simm.s32 $0x0;
	v13 =	vadd.f32 v9, v62;
	v12 =	vadd.f32 v12, v63;
	v9 =	vld [tilespmem:s3+$0xF0];
	s3 =	simm.s32 $0xCB00  }
.LBB2_8:
0xe8: {  	v14 =	vld [tilespmem:s3+$0xC0];
	v4 =	vadd.f32 v4, v11;
	v7 =	vadd.f32 v7, v10  }
0xe9: {  	v10 =	vld [tilespmem:s3+$0xD0];
	v11 =	vadd.f32 v2, v13;
	v12 =	vadd.f32 v3, v12  }
0xea: {  	v2 =	vld [tilespmem:s3+$0x80];
	v4 =	vadd.f32 v5, v4;
	v5 =	vadd.f32 v8, v7  }
0xeb: {  	v3 =	vld [tilespmem:s3+$0x90];
	v7 =	vadd.f32 v0, v11;
	v8 =	vadd.f32 v1, v12  }
0xec: {  	v12 =	vld [tilespmem:s3+$0x40];
	v4 =	vadd.f32 v6, v4;
	v5 =	vadd.f32 v9, v5  }
0xed: {  	v9 =	vld [tilespmem:s3+$0x50];
	v0 =	vmov v14  }
0xee: {  	v6 =	vld [tilespmem:s3+$0x0];
	v1 =	vmov v10  }
0xef: {  	v10 =	vld [tilespmem:s3+$0x10]  }
0xf0: {  	v11 =	vld [tilespmem:s3+$0xFFFFFFC0]  }
0xf1: {  	v13 =	vld [tilespmem:s3+$0xFFFFFFD0]  }
0xf2: {  	v14 =	vld [tilespmem:s3+$0xFFFFFF80]  }
0xf3: {  	v15 =	vld [tilespmem:s3+$0xFFFFFF90]  }
0xf4: {  	v16 =	vld [tilespmem:s3+$0xFFFFFF40]  }
0xf5: {  	v17 =	vld [tilespmem:s3+$0xFFFFFF50]  }
0xf6: {  	v18 =	vld [tilespmem:s3+$0xFFFFFF00]  }
0xf7: {  	v19 =	vld [tilespmem:s3+$0xFFFFFF10]  }
0xf8: {  	v20 =	vld [tilespmem:s3+$0xFFFFFF20]  }
0xf9: {  	s2 =	sadd.s32 $0x8, s2;
	v21 =	vld [tilespmem:s3+$0xFFFFFF30]  }
0xfa: {  	p0 =	slt.u32 s2, $0xC0;
	v22 =	vld [tilespmem:s3+$0xFFFFFF60]  }
0xfb: {  	v23 =	vld [tilespmem:s3+$0xFFFFFF70]  }
0xfc: {  	v24 =	vld [tilespmem:s3+$0xFFFFFFA0]  }
0xfd: {  	v7 =	vadd.f32 v18, v7;
	v8 =	vadd.f32 v19, v8;
	v18 =	vld [tilespmem:s3+$0xFFFFFFB0]  }
0xfe: {  	v4 =	vadd.f32 v20, v4;
	v5 =	vadd.f32 v21, v5;
	v19 =	vld [tilespmem:s3+$0xFFFFFFE0]  }
0xff: {  	v7 =	vadd.f32 v16, v7;
	v8 =	vadd.f32 v17, v8;
	v16 =	vld [tilespmem:s3+$0xFFFFFFF0]  }
0x100: {  	v4 =	vadd.f32 v22, v4;
	v5 =	vadd.f32 v23, v5;
	v17 =	vld [tilespmem:s3+$0x20]  }
0x101: {  	v7 =	vadd.f32 v14, v7;
	v8 =	vadd.f32 v15, v8;
	v14 =	vld [tilespmem:s3+$0x30]  }
0x102: {  	v15 =	vadd.f32 v24, v4;
	v5 =	vadd.f32 v18, v5;
	v4 =	vld [tilespmem:s3+$0x60]  }
.Ltmp2:
0x103: {  	v11 =	vadd.f32 v11, v7;
	v8 =	vadd.f32 v13, v8;
	v7 =	vld [tilespmem:s3+$0x70];
	(pc) =	sbr.rel @p0 .LBB2_8-.Ltmp2, $4  }
0x104: {  	v13 =	vadd.f32 v19, v15;
	v15 =	vadd.f32 v16, v5;
	v5 =	vld [tilespmem:s3+$0xA0]  }
0x105: {  	v16 =	vadd.f32 v6, v11;
	v18 =	vadd.f32 v10, v8;
	v8 =	vld [tilespmem:s3+$0xB0]  }
0x106: {  	v11 =	vadd.f32 v17, v13;
	v10 =	vadd.f32 v14, v15;
	v6 =	vld [tilespmem:s3+$0xE0]  }
0x107: {  	v13 =	vadd.f32 v12, v16;
	v12 =	vadd.f32 v9, v18;
	v9 =	vld [tilespmem:s3+$0xF0];
	s3 =	sadd.s32 $0x200, s3  }
0x108: {  	_ = 	snop  }
0x109: {  	v4 =	vadd.f32 v4, v11;
	v2 =	vadd.f32 v2, v13  }
0x10a: {  	v7 =	vadd.f32 v7, v10;
	v3 =	vadd.f32 v3, v12  }
0x10b: {  	v4 =	vadd.f32 v5, v4;
	v0 =	vadd.f32 v0, v2  }
0x10c: {  	s2 =	smin.u32 s1, $0x79;
	v2 =	vadd.f32 v8, v7;
	v1 =	vadd.f32 v1, v3  }
0x10d: {  	s2 =	smul.u32 $0x320, s2;
	v3 =	vadd.f32 v6, v4;
	[tilespmem:s31+$0x12C80] =	vst v0  }
0x10e: {  	v0 =	vadd.f32 v9, v2;
	[tilespmem:s31+$0x12C90] =	vst v1  }
0x10f: {  	s2 =	sshrl.u32 s2, $0x2;
	[tilespmem:s31+$0x12CA0] =	vst v3  }
0x110: {  	s3 =	sadd.s32 $0x4B0, s2;
	[tilespmem:s31+$0x12CB0] =	vst v0  }
0x111: {  	[tilespmem:s18], [sflag:$0x3] =	stream.indirect.gather [hbm4b:s5+s9], $0x40, s3, s9, $0xb8;
	[tilespmem:$0x14C00] =	vst v63  }
0x112: {  	s2 =	sadd.s32 $0x530, s2  }
0x113: {  	[tilespmem:s20], [sflag:$0x3] =	stream.indirect.gather [hbm4b:s5+s11], $0x40, s2, s11, $0xb8;
	[tilespmem:$0x14C00] =	vst v63  }
0x114: {  	_ =	swait.ge [sflag:s29], $0x3200  }
0x115: {  	[sflag:s29] =	ssyncset.done $0x0  }
0x116: {  	s3 =	simm.s32 $0xFB00;
	[sflag:s29] =	ssyncadd.s32 $0xFFFFCE00  }
0x117: {  	v0 =	vld [tilespmem:s3+$0xC0]  }
0x118: {  	v1 =	vld [tilespmem:s3+$0xD0]  }
0x119: {  	v2 =	vld [tilespmem:s3+$0x80]  }
0x11a: {  	v3 =	vld [tilespmem:s3+$0x90]  }
0x11b: {  	v9 =	vld [tilespmem:s3+$0x40]  }
0x11c: {  	v12 =	vld [tilespmem:s3+$0x50]  }
0x11d: {  	v6 =	vld [tilespmem:s3+$0x0]  }
0x11e: {  	v8 =	vld [tilespmem:s3+$0x10]  }
0x11f: {  	v5 =	vld [tilespmem:s3+$0xFFFFFFC0]  }
0x120: {  	v7 =	vld [tilespmem:s3+$0xFFFFFFD0]  }
0x121: {  	v4 =	vld [tilespmem:s3+$0xFFFFFF80]  }
0x122: {  	v10 =	vld [tilespmem:s3+$0xFFFFFF90]  }
0x123: {  	v11 =	vld [tilespmem:s3+$0xFFFFFF40]  }
0x124: {  	v13 =	vld [tilespmem:s3+$0xFFFFFF50]  }
0x125: {  	v14 =	vld [tilespmem:s3+$0xFFFFFF00]  }
0x126: {  	v15 =	vld [tilespmem:s3+$0xFFFFFF10]  }
0x127: {  	v16 =	vld [tilespmem:s3+$0xFFFFFF20]  }
0x128: {  	v17 =	vld [tilespmem:s3+$0xFFFFFF30]  }
0x129: {  	v18 =	vld [tilespmem:s3+$0xFFFFFF60]  }
0x12a: {  	v19 =	vld [tilespmem:s3+$0xFFFFFF70]  }
0x12b: {  	v20 =	vimm.f32 $0.0e+00;
	v21 =	vld [tilespmem:s3+$0xFFFFFFA0]  }
0x12c: {  	v22 =	vld [tilespmem:s3+$0xFFFFFFB0];
	v14 =	vadd.f32 v14, v20;
	v15 =	vadd.f32 v15, v20  }
0x12d: {  	v59 =	vld [tilespmem:s3+$0xFFFFFFE0];
	v16 =	vadd.f32 v16, v20;
	v17 =	vadd.f32 v17, v20  }
0x12e: {  	v11 =	vadd.f32 v11, v14;
	v13 =	vadd.f32 v13, v15;
	v14 =	vld [tilespmem:s3+$0xFFFFFFF0]  }
0x12f: {  	v61 =	vld [tilespmem:s3+$0x20];
	v15 =	vadd.f32 v18, v16;
	v60 =	vadd.f32 v19, v17  }
0x130: {  	v11 =	vadd.f32 v4, v11;
	v10 =	vadd.f32 v10, v13;
	v13 =	vld [tilespmem:s3+$0x30]  }
0x131: {  	v15 =	vadd.f32 v21, v15;
	v16 =	vadd.f32 v22, v60;
	v4 =	vld [tilespmem:s3+$0x60]  }
0x132: {  	v11 =	vadd.f32 v5, v11;
	v10 =	vadd.f32 v7, v10;
	v7 =	vld [tilespmem:s3+$0x70]  }
0x133: {  	v15 =	vadd.f32 v59, v15;
	v5 =	vld [tilespmem:s3+$0xA0];
	v14 =	vadd.f32 v14, v16  }
0x134: {  	v62 =	vadd.f32 v6, v11;
	v63 =	vadd.f32 v8, v10;
	v8 =	vld [tilespmem:s3+$0xB0]  }
0x135: {  	v11 =	vadd.f32 v61, v15;
	v6 =	vld [tilespmem:s3+$0xE0];
	v10 =	vadd.f32 v13, v14  }
0x136: {  	s2 =	simm.s32 $0x0;
	v13 =	vadd.f32 v9, v62;
	v12 =	vadd.f32 v12, v63;
	v9 =	vld [tilespmem:s3+$0xF0];
	s3 =	simm.s32 $0xFD00  }
.LBB2_10:
0x137: {  	v14 =	vld [tilespmem:s3+$0xC0];
	v4 =	vadd.f32 v4, v11;
	v7 =	vadd.f32 v7, v10  }
0x138: {  	v10 =	vld [tilespmem:s3+$0xD0];
	v11 =	vadd.f32 v2, v13;
	v12 =	vadd.f32 v3, v12  }
0x139: {  	v2 =	vld [tilespmem:s3+$0x80];
	v4 =	vadd.f32 v5, v4;
	v5 =	vadd.f32 v8, v7  }
0x13a: {  	v3 =	vld [tilespmem:s3+$0x90];
	v7 =	vadd.f32 v0, v11;
	v8 =	vadd.f32 v1, v12  }
0x13b: {  	v12 =	vld [tilespmem:s3+$0x40];
	v4 =	vadd.f32 v6, v4;
	v5 =	vadd.f32 v9, v5  }
0x13c: {  	v9 =	vld [tilespmem:s3+$0x50];
	v0 =	vmov v14  }
0x13d: {  	v6 =	vld [tilespmem:s3+$0x0];
	v1 =	vmov v10  }
0x13e: {  	v10 =	vld [tilespmem:s3+$0x10]  }
0x13f: {  	v11 =	vld [tilespmem:s3+$0xFFFFFFC0]  }
0x140: {  	v13 =	vld [tilespmem:s3+$0xFFFFFFD0]  }
0x141: {  	v14 =	vld [tilespmem:s3+$0xFFFFFF80]  }
0x142: {  	v15 =	vld [tilespmem:s3+$0xFFFFFF90]  }
0x143: {  	v16 =	vld [tilespmem:s3+$0xFFFFFF40]  }
0x144: {  	v17 =	vld [tilespmem:s3+$0xFFFFFF50]  }
0x145: {  	v18 =	vld [tilespmem:s3+$0xFFFFFF00]  }
0x146: {  	v19 =	vld [tilespmem:s3+$0xFFFFFF10]  }
0x147: {  	v20 =	vld [tilespmem:s3+$0xFFFFFF20]  }
0x148: {  	s2 =	sadd.s32 $0x8, s2;
	v21 =	vld [tilespmem:s3+$0xFFFFFF30]  }
0x149: {  	p0 =	slt.u32 s2, $0xC0;
	v22 =	vld [tilespmem:s3+$0xFFFFFF60]  }
0x14a: {  	v23 =	vld [tilespmem:s3+$0xFFFFFF70]  }
0x14b: {  	v24 =	vld [tilespmem:s3+$0xFFFFFFA0]  }
0x14c: {  	v7 =	vadd.f32 v18, v7;
	v8 =	vadd.f32 v19, v8;
	v18 =	vld [tilespmem:s3+$0xFFFFFFB0]  }
0x14d: {  	v4 =	vadd.f32 v20, v4;
	v5 =	vadd.f32 v21, v5;
	v19 =	vld [tilespmem:s3+$0xFFFFFFE0]  }
0x14e: {  	v7 =	vadd.f32 v16, v7;
	v8 =	vadd.f32 v17, v8;
	v16 =	vld [tilespmem:s3+$0xFFFFFFF0]  }
0x14f: {  	v4 =	vadd.f32 v22, v4;
	v5 =	vadd.f32 v23, v5;
	v17 =	vld [tilespmem:s3+$0x20]  }
0x150: {  	v7 =	vadd.f32 v14, v7;
	v8 =	vadd.f32 v15, v8;
	v14 =	vld [tilespmem:s3+$0x30]  }
0x151: {  	v15 =	vadd.f32 v24, v4;
	v5 =	vadd.f32 v18, v5;
	v4 =	vld [tilespmem:s3+$0x60]  }
.Ltmp3:
0x152: {  	v11 =	vadd.f32 v11, v7;
	v8 =	vadd.f32 v13, v8;
	v7 =	vld [tilespmem:s3+$0x70];
	(pc) =	sbr.rel @p0 .LBB2_10-.Ltmp3, $4  }
0x153: {  	v13 =	vadd.f32 v19, v15;
	v15 =	vadd.f32 v16, v5;
	v5 =	vld [tilespmem:s3+$0xA0]  }
0x154: {  	v16 =	vadd.f32 v6, v11;
	v18 =	vadd.f32 v10, v8;
	v8 =	vld [tilespmem:s3+$0xB0]  }
0x155: {  	v11 =	vadd.f32 v17, v13;
	v10 =	vadd.f32 v14, v15;
	v6 =	vld [tilespmem:s3+$0xE0]  }
0x156: {  	v13 =	vadd.f32 v12, v16;
	v12 =	vadd.f32 v9, v18;
	v9 =	vld [tilespmem:s3+$0xF0];
	s3 =	sadd.s32 $0x200, s3  }
0x157: {  	_ = 	snop  }
0x158: {  	v4 =	vadd.f32 v4, v11;
	v2 =	vadd.f32 v2, v13  }
0x159: {  	v7 =	vadd.f32 v7, v10;
	v3 =	vadd.f32 v3, v12  }
0x15a: {  	v4 =	vadd.f32 v5, v4;
	v0 =	vadd.f32 v0, v2  }
0x15b: {  	s1 =	smin.u32 s1, $0x78;
	v61 =	vadd.f32 v8, v7;
	v1 =	vadd.f32 v1, v3  }
0x15c: {  	s7 =	sadd.s32 $0x1, s7;
	s1 =	smul.u32 $0x320, s1;
	v62 =	vadd.f32 v6, v4;
	[tilespmem:s31+$0x12CC0] =	vst v0  }
0x15d: {  	p0 =	sne.s32 s7, $0x20;
	v63 =	vadd.f32 v9, v61;
	[tilespmem:s31+$0x12CD0] =	vst v1  }
.Ltmp4:
0x15e: {  	s1 =	sshrl.u32 s1, $0x2;
	[tilespmem:s31+$0x12CE0] =	vst v62;
	(pc) =	sbr.rel @p0 .LBB2_3-.Ltmp4, $4  }
0x15f: {  	s2 =	sadd.s32 $0x578, s1;
	[tilespmem:s31+$0x12CF0] =	vst v63  }
0x160: {  	[tilespmem:s22], [sflag:$0x4] =	stream.indirect.gather [hbm4b:s5+s9], $0x40, s2, s9, $0xb8;
	[tilespmem:$0x14C00] =	vst v63  }
0x161: {  	s1 =	sadd.s32 $0x5F8, s1  }
0x162: {  	[tilespmem:s24], [sflag:$0x4] =	stream.indirect.gather [hbm4b:s5+s11], $0x40, s1, s11, $0xb8;
	[tilespmem:$0x14C00] =	vst v63  }
0x163: {  	_ =	swait.ge [sflag:s25], $0x3200  }
0x164: {  	[sflag:s25] =	ssyncset.done $0x0  }
0x165: {  	[sflag:s25] =	ssyncadd.s32 $0xFFFFCE00  }
0x166: {  	_ =	swait.ge [sflag:s26], $0x3200  }
0x167: {  	[sflag:s26] =	ssyncset.done $0x0  }
0x168: {  	[sflag:s26] =	ssyncadd.s32 $0xFFFFCE00  }
0x169: {  	_ =	swait.ge [sflag:s28], $0x3200  }
0x16a: {  	[sflag:s28] =	ssyncset.done $0x0  }
0x16b: {  	[sflag:s28] =	ssyncadd.s32 $0xFFFFCE00  }
0x16c: {  	_ =	swait.ge [sflag:s29], $0x3200  }
0x16d: {  	[sflag:s29] =	ssyncset.done $0x0  }
0x16e: {  	s0 =	sadd.s32 $0x1, s0;
	[sflag:s29] =	ssyncadd.s32 $0xFFFFCE00  }
0x16f: {  	s1 =	sshll.u32 s4, $0x3;
	p0 =	sne.s32 s0, $0x4;
	s2 =	rddreg [dreg:$0x2]  }
.Ltmp5:
0x170: {  	s31 =	simm.s32 $0x0;
	s1 =	sadd.s32 s2, s1;
	(pc) =	sbr.rel @p0 .LBB2_2-.Ltmp5, $4  }
0x171: {  	[hbm4b:s1+s31] =	stream.linear.scatter [tilespmem:s30], [sflag:$0x5], $0x2000, $0x38;
	[tilespmem:$0x14C00] =	vst v63  }
0x172: {  	_ =	swait.ge [sflag:s8], $0x2000  }
0x173: {  	[sflag:s8] =	ssyncset.done $0x0  }
0x174: {  	[sflag:s8] =	ssyncadd.s32 $0xFFFFE000  }
0x175: {  	s1 =	rddreg [dreg:$0x5]  }
0x176: {  	s0 =	rddreg [dreg:$0x4];
	s1 =	sadd.s32 $0x1, s1  }
0x177: {  	p0 =	sne.s32 s1, s0  }
.Ltmp6:
0x178: {  	_ = 	snop;
	(pc) =	sbr.rel @p0 .LBB2_1-.Ltmp6, $1  }
0x179: {  	_ =	sdelay $0x3  }
0x17a: {  	_ =	sfence.sel $0x180000  }
0x17b: {  	[bflag:$0x0] =	sbarrier.arrive $0xFFFF  }
0x17c: {  	_ =	strace $0x90000047  }
0x17d: {  	s0 =	stileid.u32;
	[bflag:$0x2] =	sbarrier.arrive $0xFFFF  }
0x17e: {  	p0 =	sne.s32 s0, $0x0;
	s0 =	rddreg [dreg:$0x3]  }
0x17f: {  	s0 =	sadd.s32 @!p0 $0x100000, s0  }
0x180: {  	[sflag:s0] =	ssyncadd.tile.s32 @!p0 $0x1;
	_ =	shalt  }
.Lfunc_end2:
_tile_overlayer_lowered:
.L_overlay_start_2:
0x181: {  	(tag) =	ssettag $0x2  }
0x182: {  	s0 =	rddreg [dreg:$0x0];
	s2 =	stileid.u32  }
0x183: {  	s1 =	rddreg [dreg:$0x1];
	p0 =	sne.s32 s2, $0x0  }
0x184: {  	s3 =	rddreg [dreg:$0x2];
	[bflag:$0x3] =	sbarrier.arrive $0xFFFF;
	s2 =	simm.s32 @!p0 $0x1C05  }
0x185: {  	[timem:s3], [sflag:s2] =	dma.local @!p0 [hbm:s0], s1  }
0x186: {  	s0 =	simm.s32 @!p0 $0x5  }
0x187: {  	_ =	swait.ge @!p0 [sflag:s0], s1  }
0x188: {  	s1 =	ssub.s32 @!p0 $0x0, s1;
	[sflag:s0] =	ssyncset.done @!p0 $0x0  }
0x189: {  	[sflag:s0] =	ssyncadd.s32 @!p0 s1  }
0x18a: {  	[bflag:$0x3] =	sbarrier.arrive $0xFFFF  }
0x18b: {  	_ =	shalt  }

</sc_bundles>
